<compile_context>
chip_gen: v7x
topology: tpu7x:2x2x1
jax: 0.10.2.dev20260603
libtpu: 0.0.44.dev20260713+nightly
codegen_flags: <defaults>
</compile_context>

<pallas_src>
import functools

import jax
import jax.numpy as jnp
from jax import lax
from jax.experimental import pallas as pl
from jax.experimental.pallas import tpu as pltpu
from jax.experimental.pallas import tpu_sc as plsc

D = 128
S = 12
BATCH = 1024
SEQ = 20
BL = BATCH * SEQ
SLOPE = 0.2

NC = 2
NW = 32

BB = 16
GRID = BATCH // BB


CG = 320
WROWS = BL // NW
NCH_N = (BL * S) // (NW * CG)
LANES = 16
SPAD = 16


def _gather_body(in_ids, item_ids, nbr_t, emb_hbm,
                 h_out, item_out, neigh_out,
                 idx0, idx1, buf0, buf1, sem0, sem1):
    wid = lax.axis_index("s") * NC + lax.axis_index("c")
    base = wid * WROWS
    idx = (idx0, idx1)
    buf = (buf0, buf1)
    sem = (sem0, sem1)

    def load(ids_src, off, p):
        pltpu.sync_copy(ids_src.at[pl.ds(off, CG)], idx[p])
        return pltpu.async_copy(emb_hbm.at[idx[p]], buf[p], sem[p])

    g0 = load(in_ids, base, 0)
    g1 = load(in_ids, base + CG, 1)
    g0.wait()
    pltpu.sync_copy(buf0, h_out.at[pl.ds(base, CG), :])
    g0 = load(item_ids, base, 0)
    g1.wait()
    pltpu.sync_copy(buf1, h_out.at[pl.ds(base + CG, CG), :])
    g1 = load(item_ids, base + CG, 1)
    g0.wait()
    pltpu.sync_copy(buf0, item_out.at[pl.ds(base, CG), :])
    g1.wait()
    pltpu.sync_copy(buf1, item_out.at[pl.ds(base + CG, CG), :])

    def start(c, p):
        s_i = c // 2
        half = c % 2
        off = s_i * BL + base + half * CG
        pltpu.sync_copy(nbr_t.at[pl.ds(off, CG)], idx[p])
        return pltpu.async_copy(emb_hbm.at[idx[p]], buf[p], sem[p])

    def drain(p):
        pltpu.make_async_copy(emb_hbm.at[idx[p]], buf[p], sem[p]).wait()

    def write(c, p):
        s_i = c // 2
        half = c % 2
        pltpu.sync_copy(
            buf[p], neigh_out.at[s_i, pl.ds(base + half * CG, CG), :])

    start(0, 0)

    def pair(i, carry):
        e = 2 * i
        start(e + 1, 1)
        drain(0)
        write(e, 0)
        start(e + 2, 0)
        drain(1)
        write(e + 1, 1)
        return carry

    lax.fori_loop(0, NCH_N // 2 - 1, pair, 0)
    e = NCH_N - 2
    start(e + 1, 1)
    drain(0)
    write(e, 0)
    drain(1)
    write(e + 1, 1)


@functools.lru_cache(maxsize=None)
def _make_sc_gather(interpret=False):
    mesh = plsc.VectorSubcoreMesh(core_axis_name="c", subcore_axis_name="s")
    return pl.kernel(
        _gather_body,
        out_type=[
            jax.ShapeDtypeStruct((BL, D), jnp.float32),
            jax.ShapeDtypeStruct((BL, D), jnp.float32),
            jax.ShapeDtypeStruct((S, BL, D), jnp.float32),
        ],
        mesh=mesh,
        scratch_types=[
            pltpu.VMEM((CG,), jnp.int32),
            pltpu.VMEM((CG,), jnp.int32),
            pltpu.VMEM((CG, D), jnp.float32),
            pltpu.VMEM((CG, D), jnp.float32),
            pltpu.SemaphoreType.DMA,
            pltpu.SemaphoreType.DMA,
        ],
        interpret=interpret,
    )



def _leaky(x, slope):
    return jnp.where(x >= 0, x, slope * x)


def _dense_body(h_ref, item_ref, neigh_ref, wq_ref, adj_ref, tcol_ref, trow_ref,
                mask_ref, a_ref, wt_ref, m_ref, r_ref, w2_ref, w3a_ref, w3b_ref,
                bg_ref, hl_out, hg_out):
    N = BB * SEQ
    h = h_ref[...]
    item = item_ref[...]
    A = a_ref[...]
    wt = wt_ref[0, 0]
    M = m_ref[...]
    r = r_ref[...]
    w2 = w2_ref[...]
    w3a = w3a_ref[...]
    w3b = w3b_ref[...]
    bgr = bg_ref[...]
    mask = mask_ref[...]

    dot = functools.partial(lax.dot_general,
                            preferred_element_type=jnp.float32)

    i0 = lax.broadcasted_iota(jnp.int32, (BB, N), 0)
    i1 = lax.broadcasted_iota(jnp.int32, (BB, N), 1)
    seg_r = (i1 // SEQ == i0).astype(jnp.float32)
    j0 = lax.broadcasted_iota(jnp.int32, (N, BB), 0)
    j1 = lax.broadcasted_iota(jnp.int32, (N, BB), 1)
    seg_e = (j0 // SEQ == j1).astype(jnp.float32)
    sess = dot(seg_r, item * mask, (((1,), (0,)), ((), ())))
    msum = dot(seg_r, mask, (((1,), (0,)), ((), ())))
    sess = sess / msum
    extra = dot(seg_e, sess, (((1,), (0,)), ((), ())))

    h3 = h.reshape(BB, SEQ, D)
    adj3 = adj_ref[...]
    bdot = lambda x, y: dot(x, y, (((2,), (2,)), ((0,), (0,))))
    e0 = _leaky(bdot(h3 * A[0:1, :][None], h3), SLOPE)
    e1 = _leaky(bdot(h3 * A[1:2, :][None], h3), SLOPE)
    e2 = _leaky(bdot(h3 * A[2:3, :][None], h3), SLOPE)
    e3 = _leaky(bdot(h3 * A[3:4, :][None], h3), SLOPE)
    att = jnp.full((BB, SEQ, SEQ), -9e15, jnp.float32)
    att = jnp.where(adj3 == 1, e0, att)
    att = jnp.where(adj3 == 2, e1, att)
    att = jnp.where(adj3 == 3, e2, att)
    att = jnp.where(adj3 == 4, e3, att)
    tdiff = jnp.abs(tcol_ref[...] - trow_ref[...])
    att = att - wt * tdiff
    att = att - jnp.max(att, axis=-1, keepdims=True)
    att = jnp.exp(att)
    att = att / jnp.sum(att, axis=-1, keepdims=True)
    hl_out[...] = dot(att, h3, (((2,), (1,)), ((0,), (0,))))

    nc = jnp.concatenate([neigh_ref[s] for s in range(S)], axis=0)
    wqc = jnp.concatenate([wq_ref[s] for s in range(S)], axis=0)
    extra_rep = jnp.concatenate([extra] * S, axis=0)
    ts = dot(nc * extra_rep, M, (((1,), (0,)), ((), ())))
    ts = _leaky(ts + wqc * r, 0.2)
    esc = jnp.exp(dot(ts, w2, (((1,), (0,)), ((), ()))))
    esum = jnp.zeros((N, 1), jnp.float32)
    for s in range(S):
        esum = esum + esc[s * N:(s + 1) * N, :]
    wn = esc * nc
    agg = jnp.zeros((N, D), jnp.float32)
    for s in range(S):
        agg = agg + wn[s * N:(s + 1) * N, :]
    agg = agg / esum
    hg = dot(h, w3a, (((1,), (0,)), ((), ()))) + \
        dot(agg, w3b, (((1,), (0,)), ((), ()))) + bgr
    hg_out[...] = jnp.maximum(hg, 0.0)


def _make_dense(interpret=False):
    row_spec = lambda rows: pl.BlockSpec((rows, D), lambda i: (i, 0))
    full2 = lambda shape: pl.BlockSpec(shape, lambda i: (0,) * len(shape))
    return pl.pallas_call(
        _dense_body,
        grid=(GRID,),
        in_specs=[
            row_spec(BB * SEQ),
            row_spec(BB * SEQ),
            pl.BlockSpec((S, BB * SEQ, D), lambda i: (0, i, 0)),
            pl.BlockSpec((S, BB * SEQ, 1), lambda i: (0, i, 0)),
            pl.BlockSpec((BB, SEQ, SEQ), lambda i: (i, 0, 0)),
            pl.BlockSpec((BB, SEQ, 1), lambda i: (i, 0, 0)),
            pl.BlockSpec((BB, 1, SEQ), lambda i: (i, 0, 0)),
            pl.BlockSpec((BB * SEQ, 1), lambda i: (i, 0)),
            full2((4, D)),
            full2((1, 1)),
            full2((D, D)),
            full2((1, D)),
            full2((D, 1)),
            full2((D, D)),
            full2((D, D)),
            full2((1, D)),
        ],
        out_specs=[pl.BlockSpec((BB, SEQ, D), lambda i: (i, 0, 0)),
                   row_spec(BB * SEQ)],
        out_shape=[
            jax.ShapeDtypeStruct((BATCH, SEQ, D), jnp.float32),
            jax.ShapeDtypeStruct((BL, D), jnp.float32),
        ],
        interpret=interpret,
    )


_DENSE = _make_dense()


def kernel(inputs, adj, mask_item, item, input_times, adj_all, num, embedding,
           a_0, a_1, a_2, a_3, w_time, w1g, w2g, w3g, bg):
    inputs_flat = inputs.reshape(-1).astype(jnp.int32)
    item_flat = item.reshape(-1).astype(jnp.int32)
    adj_all = adj_all.astype(jnp.int32)

    dn = lax.GatherDimensionNumbers(
        offset_dims=(0,), collapsed_slice_dims=(0,), start_index_map=(0,))
    gt = functools.partial(
        lax.gather, dimension_numbers=dn, slice_sizes=(1, S),
        mode=lax.GatherScatterMode.PROMISE_IN_BOUNDS)
    nbr_t = gt(adj_all, inputs_flat[:, None])
    weight_t = gt(num, inputs_flat[:, None])
    h_flat, item_emb, neigh3 = _make_sc_gather()(
        inputs_flat, item_flat, nbr_t.reshape(-1), embedding)

    amat = jnp.concatenate([a_0, a_1, a_2, a_3], axis=1).T
    hl, hg = _DENSE(
        h_flat, item_emb, neigh3,
        weight_t.reshape(S, BL, 1),
        adj.astype(jnp.int32),
        input_times.reshape(BATCH, SEQ, 1),
        input_times.reshape(BATCH, 1, SEQ),
        mask_item.reshape(-1, 1),
        amat, w_time.reshape(1, 1),
        w1g[:D, :], w1g[D:D + 1, :], w2g,
        w3g[:D, :], w3g[D:, :], bg.reshape(1, D),
    )
    return hl, hg.reshape(BATCH, SEQ, D)

# --- scband reference (transcript-rebuilt; emitter-appended) ---
"""Pipeline reference for scband-combine-graph-31516470018772 (READ-ONLY COPY).

The authoritative reference and input builder live on the scoring server;
editing this copy changes nothing except your own understanding.
"""

import jax, jax.numpy as jnp
import numpy as np

NUM_NODE = 100000
DIM = 128
SAMPLE_NUM = 12
B = 1024
L = 20
ALPHA = 0.2

def _leaky(x, slope):
    return jnp.where(x >= 0, x, slope * x)

def setup_inputs(seed: int = 0):
    key = jax.random.key(seed)
    ks = jax.random.split(key, 16)
    stdv = 1.0 / np.sqrt(DIM)
    u = lambda k, s: jax.random.uniform(k, s, jnp.float32, -stdv, stdv)
    inputs = jax.random.randint(ks[0], (B, L), 0, NUM_NODE)
    adj = jax.random.randint(ks[1], (B, L, L), 0, 5)
    mask_item = jnp.ones((B, L), jnp.float32)
    item = jax.random.randint(ks[2], (B, L), 0, NUM_NODE)
    input_times = jax.random.uniform(ks[3], (B, L), dtype=jnp.float32)
    adj_all = jax.random.randint(ks[4], (NUM_NODE, SAMPLE_NUM), 0, NUM_NODE)
    num = jax.random.uniform(ks[5], (NUM_NODE, SAMPLE_NUM), dtype=jnp.float32)
    embedding = u(ks[6], (NUM_NODE, DIM))
    a_0 = u(ks[7], (DIM, 1))
    a_1 = u(ks[8], (DIM, 1))
    a_2 = u(ks[9], (DIM, 1))
    a_3 = u(ks[10], (DIM, 1))
    w_time = u(ks[11], (1,))
    w1g = u(ks[12], (DIM + 1, DIM))
    w2g = u(ks[13], (DIM, 1))
    w3g = u(ks[14], (2 * DIM, DIM))
    bg = u(ks[15], (DIM,))
    return dict(inputs=inputs, adj=adj, mask_item=mask_item, item=item, input_times=input_times,
                adj_all=adj_all, num=num, embedding=embedding,
                a_0=a_0, a_1=a_1, a_2=a_2, a_3=a_3, w_time=w_time,
                w1g=w1g, w2g=w2g, w3g=w3g, bg=bg)

def reference(inputs, adj, mask_item, item, input_times, adj_all, num, embedding,
              a_0, a_1, a_2, a_3, w_time, w1g, w2g, w3g, bg):
    # ---- embedding lookup (memory-bound gather) ----
    h = embedding[inputs]                                     # [B,L,D]
    # ---- LocalAggregator (GCE-GNN style GAT over session graph, time-aware bias) ----
    a_input = h[:, :, None, :] * h[:, None, :, :]             # [B,L,L,D]
    e_0 = _leaky(jnp.squeeze(a_input @ a_0, -1), ALPHA)
    e_1 = _leaky(jnp.squeeze(a_input @ a_1, -1), ALPHA)
    e_2 = _leaky(jnp.squeeze(a_input @ a_2, -1), ALPHA)
    e_3 = _leaky(jnp.squeeze(a_input @ a_3, -1), ALPHA)
    mask_val = jnp.full_like(e_0, -9e15)
    att = jnp.where(adj == 1, e_0, mask_val)
    att = jnp.where(adj == 2, e_1, att)
    att = jnp.where(adj == 3, e_2, att)
    att = jnp.where(adj == 4, e_3, att)
    tdiff = jnp.abs(input_times[:, :, None] - input_times[:, None, :])
    att = att - w_time[0] * tdiff
    att = jax.nn.softmax(att, axis=-1)
    h_local = att @ h                                         # [B,L,D]
    # ---- global graph: hop=1 neighbor sampling via adj_all / num tables ----
    tgt = inputs.reshape(-1)
    item_sample = adj_all[tgt].reshape(B, L * SAMPLE_NUM)     # gather of neighbor ids
    weight_sample = num[tgt].reshape(B, L, SAMPLE_NUM)
    neigh = embedding[item_sample].reshape(B, L, SAMPLE_NUM, DIM)
    # session info (mean of masked item embeddings)
    item_emb = embedding[item] * mask_item[..., None]
    sess = jnp.sum(item_emb, 1) / jnp.sum(mask_item, -1, keepdims=True)
    extra = jnp.broadcast_to(sess[:, None, :], (B, L, DIM))
    # ---- GlobalAggregator ----
    alpha = jnp.concatenate([extra[:, :, None, :] * neigh, weight_sample[..., None]], axis=-1) @ w1g
    alpha = _leaky(alpha, 0.2)
    alpha = jax.nn.softmax(jnp.squeeze(alpha @ w2g, -1), axis=-1)[..., None]
    neighbor_agg = jnp.sum(alpha * neigh, axis=-2)            # [B,L,D]
    h_global = jax.nn.relu(jnp.concatenate([h, neighbor_agg], axis=-1) @ w3g + bg)
    # eval mode: dropout_local/global are identity
    return (h_local, h_global)

if __name__ == "__main__":
    import jax
    _d = setup_inputs()
    print(jax.jit(kernel)(*tuple(_d.values())))

</pallas_src>

<mosaic_0001>
#map = affine_map<(d0, d1) -> (0)>
#map1 = affine_map<(d0, d1) -> (0, 0)>
#map2 = affine_map<(d0, d1) -> (0, 0, 0)>
module attributes {stable_mosaic.version = 14 : i64} {
  func.func @_gather_body(%arg0: i32, %arg1: i32, %arg2: memref<20480xi32, #tpu.memory_space<hbm>>, %arg3: memref<20480xi32, #tpu.memory_space<hbm>>, %arg4: memref<245760xi32, #tpu.memory_space<hbm>>, %arg5: memref<100000x128xf32, #tpu.memory_space<hbm>>, %arg6: memref<20480x128xf32, #tpu.memory_space<hbm>>, %arg7: memref<20480x128xf32, #tpu.memory_space<hbm>>, %arg8: memref<12x20480x128xf32, #tpu.memory_space<hbm>>, %arg9: memref<320xi32, #tpu.memory_space<vmem>>, %arg10: memref<320xi32, #tpu.memory_space<vmem>>, %arg11: memref<320x128xf32, #tpu.memory_space<vmem>>, %arg12: memref<320x128xf32, #tpu.memory_space<vmem>>, %arg13: memref<!tpu.dma_semaphore, #tpu.memory_space<semaphore_mem>>, %arg14: memref<!tpu.dma_semaphore, #tpu.memory_space<semaphore_mem>>) attributes {dimension_semantics = [#tpu.dimension_semantics<core_parallel>, #tpu.dimension_semantics<subcore_parallel>], iteration_bounds = array<i64: 2, 16>, scalar_prefetch = 0 : i64, scratch_operands = 6 : i64, tpu.core_type = #tpu.core_type<sc_vector_subcore>, window_params = [{transform_indices = #map}, {transform_indices = #map}, {transform_indices = #map}, {transform_indices = #map1}, {transform_indices = #map1}, {transform_indices = #map1}, {transform_indices = #map2}]} {
    %mul3A = arith.constant 2 : i32
    %mul3A_0 = arith.muli %arg1, %mul3A : i32
    %add3A = arith.addi %mul3A_0, %arg0 : i32
    %mul3A_1 = arith.constant 640 : i32
    %mul3A_2 = arith.muli %add3A, %mul3A_1 : i32
    "tpu.region"() ({
      %run_scoped3A_63 = tpu.sem_alloc : memref<!tpu.dma_semaphore, #tpu.memory_space<semaphore_mem>>
      %dma_start3A_64 = tpu.memref_slice %arg2[%mul3A_2] : memref<20480xi32, #tpu.memory_space<hbm>> -> memref<320xi32, #tpu.memory_space<hbm>>
      %dma_start3A_65 = tpu.memref_slice %arg2[%mul3A_2] : memref<20480xi32, #tpu.memory_space<hbm>> -> memref<320xi32, #tpu.memory_space<hbm>>
      tpu.enqueue_dma source(%dma_start3A_65 : memref<320xi32, #tpu.memory_space<hbm>>) target(%arg9 : memref<320xi32, #tpu.memory_space<vmem>>) target_semaphore(%run_scoped3A_63 : memref<!tpu.dma_semaphore, #tpu.memory_space<semaphore_mem>>)
      %dma_wait3A_66 = tpu.memref_slice %arg2[%mul3A_2] : memref<20480xi32, #tpu.memory_space<hbm>> -> memref<320xi32, #tpu.memory_space<hbm>>
      %dma_wait3A_67 = tpu.memref_slice %arg2[%mul3A_2] : memref<20480xi32, #tpu.memory_space<hbm>> -> memref<320xi32, #tpu.memory_space<hbm>>
      tpu.wait_dma2 semaphore(%run_scoped3A_63 : memref<!tpu.dma_semaphore, #tpu.memory_space<semaphore_mem>>) src(%dma_wait3A_67 : memref<320xi32, #tpu.memory_space<hbm>>) dst(%arg9 : memref<320xi32, #tpu.memory_space<vmem>>)
      tpu.yield
    }) : () -> ()
    %dma_start3A = arith.constant 0 : i32
    %dma_start3A_3 = arith.constant 0 : i32
    %dma_start3A_4 = tpu.memref_slice %arg5[%dma_start3A, %dma_start3A_3] : memref<100000x128xf32, #tpu.memory_space<hbm>> -> memref<100000x128xf32, #tpu.memory_space<hbm>>
    tpu.enqueue_indirect_dma source(%dma_start3A_4 : memref<100000x128xf32, #tpu.memory_space<hbm>>) target(%arg11 : memref<320x128xf32, #tpu.memory_space<vmem>>) offsets(%arg9 : memref<320xi32, #tpu.memory_space<vmem>>) semaphore(%arg13 : memref<!tpu.dma_semaphore, #tpu.memory_space<semaphore_mem>>)
    %add3A_5 = arith.constant 320 : i32
    %add3A_6 = arith.addi %mul3A_2, %add3A_5 : i32
    "tpu.region"() ({
      %run_scoped3A_63 = tpu.sem_alloc : memref<!tpu.dma_semaphore, #tpu.memory_space<semaphore_mem>>
      %dma_start3A_64 = tpu.memref_slice %arg2[%add3A_6] : memref<20480xi32, #tpu.memory_space<hbm>> -> memref<320xi32, #tpu.memory_space<hbm>>
      %dma_start3A_65 = tpu.memref_slice %arg2[%add3A_6] : memref<20480xi32, #tpu.memory_space<hbm>> -> memref<320xi32, #tpu.memory_space<hbm>>
      tpu.enqueue_dma source(%dma_start3A_65 : memref<320xi32, #tpu.memory_space<hbm>>) target(%arg10 : memref<320xi32, #tpu.memory_space<vmem>>) target_semaphore(%run_scoped3A_63 : memref<!tpu.dma_semaphore, #tpu.memory_space<semaphore_mem>>)
      %dma_wait3A_66 = tpu.memref_slice %arg2[%add3A_6] : memref<20480xi32, #tpu.memory_space<hbm>> -> memref<320xi32, #tpu.memory_space<hbm>>
      %dma_wait3A_67 = tpu.memref_slice %arg2[%add3A_6] : memref<20480xi32, #tpu.memory_space<hbm>> -> memref<320xi32, #tpu.memory_space<hbm>>
      tpu.wait_dma2 semaphore(%run_scoped3A_63 : memref<!tpu.dma_semaphore, #tpu.memory_space<semaphore_mem>>) src(%dma_wait3A_67 : memref<320xi32, #tpu.memory_space<hbm>>) dst(%arg10 : memref<320xi32, #tpu.memory_space<vmem>>)
      tpu.yield
    }) : () -> ()
    %dma_start3A_7 = arith.constant 0 : i32
    %dma_start3A_8 = arith.constant 0 : i32
    %dma_start3A_9 = tpu.memref_slice %arg5[%dma_start3A_7, %dma_start3A_8] : memref<100000x128xf32, #tpu.memory_space<hbm>> -> memref<100000x128xf32, #tpu.memory_space<hbm>>
    tpu.enqueue_indirect_dma source(%dma_start3A_9 : memref<100000x128xf32, #tpu.memory_space<hbm>>) target(%arg12 : memref<320x128xf32, #tpu.memory_space<vmem>>) offsets(%arg10 : memref<320xi32, #tpu.memory_space<vmem>>) semaphore(%arg14 : memref<!tpu.dma_semaphore, #tpu.memory_space<semaphore_mem>>)
    %dma_wait3A = arith.constant 0 : i32
    %dma_wait3A_10 = arith.constant 0 : i32
    %dma_wait3A_11 = tpu.memref_slice %arg5[%dma_wait3A, %dma_wait3A_10] : memref<100000x128xf32, #tpu.memory_space<hbm>> -> memref<100000x128xf32, #tpu.memory_space<hbm>>
    tpu.wait_indirect_dma semaphore(%arg13 : memref<!tpu.dma_semaphore, #tpu.memory_space<semaphore_mem>>) src(%dma_wait3A_11 : memref<100000x128xf32, #tpu.memory_space<hbm>>) dst(%arg11 : memref<320x128xf32, #tpu.memory_space<vmem>>)
    "tpu.region"() ({
      %run_scoped3A_63 = tpu.sem_alloc : memref<!tpu.dma_semaphore, #tpu.memory_space<semaphore_mem>>
      %dma_start3A_64 = arith.constant 0 : i32
      %dma_start3A_65 = tpu.memref_slice %arg6[%mul3A_2, %dma_start3A_64] : memref<20480x128xf32, #tpu.memory_space<hbm>> -> memref<320x128xf32, #tpu.memory_space<hbm>>
      %dma_start3A_66 = arith.constant 0 : i32
      %dma_start3A_67 = tpu.memref_slice %arg6[%mul3A_2, %dma_start3A_66] : memref<20480x128xf32, #tpu.memory_space<hbm>> -> memref<320x128xf32, #tpu.memory_space<hbm>>
      tpu.enqueue_dma source(%arg11 : memref<320x128xf32, #tpu.memory_space<vmem>>) target(%dma_start3A_67 : memref<320x128xf32, #tpu.memory_space<hbm>>) target_semaphore(%run_scoped3A_63 : memref<!tpu.dma_semaphore, #tpu.memory_space<semaphore_mem>>)
      %dma_wait3A_68 = arith.constant 0 : i32
      %dma_wait3A_69 = tpu.memref_slice %arg6[%mul3A_2, %dma_wait3A_68] : memref<20480x128xf32, #tpu.memory_space<hbm>> -> memref<320x128xf32, #tpu.memory_space<hbm>>
      %dma_wait3A_70 = arith.constant 0 : i32
      %dma_wait3A_71 = tpu.memref_slice %arg6[%mul3A_2, %dma_wait3A_70] : memref<20480x128xf32, #tpu.memory_space<hbm>> -> memref<320x128xf32, #tpu.memory_space<hbm>>
      tpu.wait_dma2 semaphore(%run_scoped3A_63 : memref<!tpu.dma_semaphore, #tpu.memory_space<semaphore_mem>>) src(%arg11 : memref<320x128xf32, #tpu.memory_space<vmem>>) dst(%dma_wait3A_71 : memref<320x128xf32, #tpu.memory_space<hbm>>)
      tpu.yield
    }) : () -> ()
    "tpu.region"() ({
      %run_scoped3A_63 = tpu.sem_alloc : memref<!tpu.dma_semaphore, #tpu.memory_space<semaphore_mem>>
      %dma_start3A_64 = tpu.memref_slice %arg3[%mul3A_2] : memref<20480xi32, #tpu.memory_space<hbm>> -> memref<320xi32, #tpu.memory_space<hbm>>
      %dma_start3A_65 = tpu.memref_slice %arg3[%mul3A_2] : memref<20480xi32, #tpu.memory_space<hbm>> -> memref<320xi32, #tpu.memory_space<hbm>>
      tpu.enqueue_dma source(%dma_start3A_65 : memref<320xi32, #tpu.memory_space<hbm>>) target(%arg9 : memref<320xi32, #tpu.memory_space<vmem>>) target_semaphore(%run_scoped3A_63 : memref<!tpu.dma_semaphore, #tpu.memory_space<semaphore_mem>>)
      %dma_wait3A_66 = tpu.memref_slice %arg3[%mul3A_2] : memref<20480xi32, #tpu.memory_space<hbm>> -> memref<320xi32, #tpu.memory_space<hbm>>
      %dma_wait3A_67 = tpu.memref_slice %arg3[%mul3A_2] : memref<20480xi32, #tpu.memory_space<hbm>> -> memref<320xi32, #tpu.memory_space<hbm>>
      tpu.wait_dma2 semaphore(%run_scoped3A_63 : memref<!tpu.dma_semaphore, #tpu.memory_space<semaphore_mem>>) src(%dma_wait3A_67 : memref<320xi32, #tpu.memory_space<hbm>>) dst(%arg9 : memref<320xi32, #tpu.memory_space<vmem>>)
      tpu.yield
    }) : () -> ()
    %dma_start3A_12 = arith.constant 0 : i32
    %dma_start3A_13 = arith.constant 0 : i32
    %dma_start3A_14 = tpu.memref_slice %arg5[%dma_start3A_12, %dma_start3A_13] : memref<100000x128xf32, #tpu.memory_space<hbm>> -> memref<100000x128xf32, #tpu.memory_space<hbm>>
    tpu.enqueue_indirect_dma source(%dma_start3A_14 : memref<100000x128xf32, #tpu.memory_space<hbm>>) target(%arg11 : memref<320x128xf32, #tpu.memory_space<vmem>>) offsets(%arg9 : memref<320xi32, #tpu.memory_space<vmem>>) semaphore(%arg13 : memref<!tpu.dma_semaphore, #tpu.memory_space<semaphore_mem>>)
    %dma_wait3A_15 = arith.constant 0 : i32
    %dma_wait3A_16 = arith.constant 0 : i32
    %dma_wait3A_17 = tpu.memref_slice %arg5[%dma_wait3A_15, %dma_wait3A_16] : memref<100000x128xf32, #tpu.memory_space<hbm>> -> memref<100000x128xf32, #tpu.memory_space<hbm>>
    tpu.wait_indirect_dma semaphore(%arg14 : memref<!tpu.dma_semaphore, #tpu.memory_space<semaphore_mem>>) src(%dma_wait3A_17 : memref<100000x128xf32, #tpu.memory_space<hbm>>) dst(%arg12 : memref<320x128xf32, #tpu.memory_space<vmem>>)
    %add3A_18 = arith.constant 320 : i32
    %add3A_19 = arith.addi %mul3A_2, %add3A_18 : i32
    "tpu.region"() ({
      %run_scoped3A_63 = tpu.sem_alloc : memref<!tpu.dma_semaphore, #tpu.memory_space<semaphore_mem>>
      %dma_start3A_64 = arith.constant 0 : i32
      %dma_start3A_65 = tpu.memref_slice %arg6[%add3A_19, %dma_start3A_64] : memref<20480x128xf32, #tpu.memory_space<hbm>> -> memref<320x128xf32, #tpu.memory_space<hbm>>
      %dma_start3A_66 = arith.constant 0 : i32
      %dma_start3A_67 = tpu.memref_slice %arg6[%add3A_19, %dma_start3A_66] : memref<20480x128xf32, #tpu.memory_space<hbm>> -> memref<320x128xf32, #tpu.memory_space<hbm>>
      tpu.enqueue_dma source(%arg12 : memref<320x128xf32, #tpu.memory_space<vmem>>) target(%dma_start3A_67 : memref<320x128xf32, #tpu.memory_space<hbm>>) target_semaphore(%run_scoped3A_63 : memref<!tpu.dma_semaphore, #tpu.memory_space<semaphore_mem>>)
      %dma_wait3A_68 = arith.constant 0 : i32
      %dma_wait3A_69 = tpu.memref_slice %arg6[%add3A_19, %dma_wait3A_68] : memref<20480x128xf32, #tpu.memory_space<hbm>> -> memref<320x128xf32, #tpu.memory_space<hbm>>
      %dma_wait3A_70 = arith.constant 0 : i32
      %dma_wait3A_71 = tpu.memref_slice %arg6[%add3A_19, %dma_wait3A_70] : memref<20480x128xf32, #tpu.memory_space<hbm>> -> memref<320x128xf32, #tpu.memory_space<hbm>>
      tpu.wait_dma2 semaphore(%run_scoped3A_63 : memref<!tpu.dma_semaphore, #tpu.memory_space<semaphore_mem>>) src(%arg12 : memref<320x128xf32, #tpu.memory_space<vmem>>) dst(%dma_wait3A_71 : memref<320x128xf32, #tpu.memory_space<hbm>>)
      tpu.yield
    }) : () -> ()
    %add3A_20 = arith.constant 320 : i32
    %add3A_21 = arith.addi %mul3A_2, %add3A_20 : i32
    "tpu.region"() ({
      %run_scoped3A_63 = tpu.sem_alloc : memref<!tpu.dma_semaphore, #tpu.memory_space<semaphore_mem>>
      %dma_start3A_64 = tpu.memref_slice %arg3[%add3A_21] : memref<20480xi32, #tpu.memory_space<hbm>> -> memref<320xi32, #tpu.memory_space<hbm>>
      %dma_start3A_65 = tpu.memref_slice %arg3[%add3A_21] : memref<20480xi32, #tpu.memory_space<hbm>> -> memref<320xi32, #tpu.memory_space<hbm>>
      tpu.enqueue_dma source(%dma_start3A_65 : memref<320xi32, #tpu.memory_space<hbm>>) target(%arg10 : memref<320xi32, #tpu.memory_space<vmem>>) target_semaphore(%run_scoped3A_63 : memref<!tpu.dma_semaphore, #tpu.memory_space<semaphore_mem>>)
      %dma_wait3A_66 = tpu.memref_slice %arg3[%add3A_21] : memref<20480xi32, #tpu.memory_space<hbm>> -> memref<320xi32, #tpu.memory_space<hbm>>
      %dma_wait3A_67 = tpu.memref_slice %arg3[%add3A_21] : memref<20480xi32, #tpu.memory_space<hbm>> -> memref<320xi32, #tpu.memory_space<hbm>>
      tpu.wait_dma2 semaphore(%run_scoped3A_63 : memref<!tpu.dma_semaphore, #tpu.memory_space<semaphore_mem>>) src(%dma_wait3A_67 : memref<320xi32, #tpu.memory_space<hbm>>) dst(%arg10 : memref<320xi32, #tpu.memory_space<vmem>>)
      tpu.yield
    }) : () -> ()
    %dma_start3A_22 = arith.constant 0 : i32
    %dma_start3A_23 = arith.constant 0 : i32
    %dma_start3A_24 = tpu.memref_slice %arg5[%dma_start3A_22, %dma_start3A_23] : memref<100000x128xf32, #tpu.memory_space<hbm>> -> memref<100000x128xf32, #tpu.memory_space<hbm>>
    tpu.enqueue_indirect_dma source(%dma_start3A_24 : memref<100000x128xf32, #tpu.memory_space<hbm>>) target(%arg12 : memref<320x128xf32, #tpu.memory_space<vmem>>) offsets(%arg10 : memref<320xi32, #tpu.memory_space<vmem>>) semaphore(%arg14 : memref<!tpu.dma_semaphore, #tpu.memory_space<semaphore_mem>>)
    %dma_wait3A_25 = arith.constant 0 : i32
    %dma_wait3A_26 = arith.constant 0 : i32
    %dma_wait3A_27 = tpu.memref_slice %arg5[%dma_wait3A_25, %dma_wait3A_26] : memref<100000x128xf32, #tpu.memory_space<hbm>> -> memref<100000x128xf32, #tpu.memory_space<hbm>>
    tpu.wait_indirect_dma semaphore(%arg13 : memref<!tpu.dma_semaphore, #tpu.memory_space<semaphore_mem>>) src(%dma_wait3A_27 : memref<100000x128xf32, #tpu.memory_space<hbm>>) dst(%arg11 : memref<320x128xf32, #tpu.memory_space<vmem>>)
    "tpu.region"() ({
      %run_scoped3A_63 = tpu.sem_alloc : memref<!tpu.dma_semaphore, #tpu.memory_space<semaphore_mem>>
      %dma_start3A_64 = arith.constant 0 : i32
      %dma_start3A_65 = tpu.memref_slice %arg7[%mul3A_2, %dma_start3A_64] : memref<20480x128xf32, #tpu.memory_space<hbm>> -> memref<320x128xf32, #tpu.memory_space<hbm>>
      %dma_start3A_66 = arith.constant 0 : i32
      %dma_start3A_67 = tpu.memref_slice %arg7[%mul3A_2, %dma_start3A_66] : memref<20480x128xf32, #tpu.memory_space<hbm>> -> memref<320x128xf32, #tpu.memory_space<hbm>>
      tpu.enqueue_dma source(%arg11 : memref<320x128xf32, #tpu.memory_space<vmem>>) target(%dma_start3A_67 : memref<320x128xf32, #tpu.memory_space<hbm>>) target_semaphore(%run_scoped3A_63 : memref<!tpu.dma_semaphore, #tpu.memory_space<semaphore_mem>>)
      %dma_wait3A_68 = arith.constant 0 : i32
      %dma_wait3A_69 = tpu.memref_slice %arg7[%mul3A_2, %dma_wait3A_68] : memref<20480x128xf32, #tpu.memory_space<hbm>> -> memref<320x128xf32, #tpu.memory_space<hbm>>
      %dma_wait3A_70 = arith.constant 0 : i32
      %dma_wait3A_71 = tpu.memref_slice %arg7[%mul3A_2, %dma_wait3A_70] : memref<20480x128xf32, #tpu.memory_space<hbm>> -> memref<320x128xf32, #tpu.memory_space<hbm>>
      tpu.wait_dma2 semaphore(%run_scoped3A_63 : memref<!tpu.dma_semaphore, #tpu.memory_space<semaphore_mem>>) src(%arg11 : memref<320x128xf32, #tpu.memory_space<vmem>>) dst(%dma_wait3A_71 : memref<320x128xf32, #tpu.memory_space<hbm>>)
      tpu.yield
    }) : () -> ()
    %dma_wait3A_28 = arith.constant 0 : i32
    %dma_wait3A_29 = arith.constant 0 : i32
    %dma_wait3A_30 = tpu.memref_slice %arg5[%dma_wait3A_28, %dma_wait3A_29] : memref<100000x128xf32, #tpu.memory_space<hbm>> -> memref<100000x128xf32, #tpu.memory_space<hbm>>
    tpu.wait_indirect_dma semaphore(%arg14 : memref<!tpu.dma_semaphore, #tpu.memory_space<semaphore_mem>>) src(%dma_wait3A_30 : memref<100000x128xf32, #tpu.memory_space<hbm>>) dst(%arg12 : memref<320x128xf32, #tpu.memory_space<vmem>>)
    %add3A_31 = arith.constant 320 : i32
    %add3A_32 = arith.addi %mul3A_2, %add3A_31 : i32
    "tpu.region"() ({
      %run_scoped3A_63 = tpu.sem_alloc : memref<!tpu.dma_semaphore, #tpu.memory_space<semaphore_mem>>
      %dma_start3A_64 = arith.constant 0 : i32
      %dma_start3A_65 = tpu.memref_slice %arg7[%add3A_32, %dma_start3A_64] : memref<20480x128xf32, #tpu.memory_space<hbm>> -> memref<320x128xf32, #tpu.memory_space<hbm>>
      %dma_start3A_66 = arith.constant 0 : i32
      %dma_start3A_67 = tpu.memref_slice %arg7[%add3A_32, %dma_start3A_66] : memref<20480x128xf32, #tpu.memory_space<hbm>> -> memref<320x128xf32, #tpu.memory_space<hbm>>
      tpu.enqueue_dma source(%arg12 : memref<320x128xf32, #tpu.memory_space<vmem>>) target(%dma_start3A_67 : memref<320x128xf32, #tpu.memory_space<hbm>>) target_semaphore(%run_scoped3A_63 : memref<!tpu.dma_semaphore, #tpu.memory_space<semaphore_mem>>)
      %dma_wait3A_68 = arith.constant 0 : i32
      %dma_wait3A_69 = tpu.memref_slice %arg7[%add3A_32, %dma_wait3A_68] : memref<20480x128xf32, #tpu.memory_space<hbm>> -> memref<320x128xf32, #tpu.memory_space<hbm>>
      %dma_wait3A_70 = arith.constant 0 : i32
      %dma_wait3A_71 = tpu.memref_slice %arg7[%add3A_32, %dma_wait3A_70] : memref<20480x128xf32, #tpu.memory_space<hbm>> -> memref<320x128xf32, #tpu.memory_space<hbm>>
      tpu.wait_dma2 semaphore(%run_scoped3A_63 : memref<!tpu.dma_semaphore, #tpu.memory_space<semaphore_mem>>) src(%arg12 : memref<320x128xf32, #tpu.memory_space<vmem>>) dst(%dma_wait3A_71 : memref<320x128xf32, #tpu.memory_space<hbm>>)
      tpu.yield
    }) : () -> ()
    %add3A_33 = arith.constant 0 : i32
    %add3A_34 = arith.addi %add3A_33, %mul3A_2 : i32
    %add3A_35 = arith.constant 0 : i32
    %add3A_36 = arith.addi %add3A_34, %add3A_35 : i32
    "tpu.region"() ({
      %run_scoped3A_63 = tpu.sem_alloc : memref<!tpu.dma_semaphore, #tpu.memory_space<semaphore_mem>>
      %dma_start3A_64 = tpu.memref_slice %arg4[%add3A_36] : memref<245760xi32, #tpu.memory_space<hbm>> -> memref<320xi32, #tpu.memory_space<hbm>>
      %dma_start3A_65 = tpu.memref_slice %arg4[%add3A_36] : memref<245760xi32, #tpu.memory_space<hbm>> -> memref<320xi32, #tpu.memory_space<hbm>>
      tpu.enqueue_dma source(%dma_start3A_65 : memref<320xi32, #tpu.memory_space<hbm>>) target(%arg9 : memref<320xi32, #tpu.memory_space<vmem>>) target_semaphore(%run_scoped3A_63 : memref<!tpu.dma_semaphore, #tpu.memory_space<semaphore_mem>>)
      %dma_wait3A_66 = tpu.memref_slice %arg4[%add3A_36] : memref<245760xi32, #tpu.memory_space<hbm>> -> memref<320xi32, #tpu.memory_space<hbm>>
      %dma_wait3A_67 = tpu.memref_slice %arg4[%add3A_36] : memref<245760xi32, #tpu.memory_space<hbm>> -> memref<320xi32, #tpu.memory_space<hbm>>
      tpu.wait_dma2 semaphore(%run_scoped3A_63 : memref<!tpu.dma_semaphore, #tpu.memory_space<semaphore_mem>>) src(%dma_wait3A_67 : memref<320xi32, #tpu.memory_space<hbm>>) dst(%arg9 : memref<320xi32, #tpu.memory_space<vmem>>)
      tpu.yield
    }) : () -> ()
    %dma_start3A_37 = arith.constant 0 : i32
    %dma_start3A_38 = arith.constant 0 : i32
    %dma_start3A_39 = tpu.memref_slice %arg5[%dma_start3A_37, %dma_start3A_38] : memref<100000x128xf32, #tpu.memory_space<hbm>> -> memref<100000x128xf32, #tpu.memory_space<hbm>>
    tpu.enqueue_indirect_dma source(%dma_start3A_39 : memref<100000x128xf32, #tpu.memory_space<hbm>>) target(%arg11 : memref<320x128xf32, #tpu.memory_space<vmem>>) offsets(%arg9 : memref<320xi32, #tpu.memory_space<vmem>>) semaphore(%arg13 : memref<!tpu.dma_semaphore, #tpu.memory_space<semaphore_mem>>)
    %scan3A = arith.constant 0 : i32
    %scan3A_40 = arith.constant 0 : i32
    %scan3A_41 = arith.constant 11 : i32
    %scan3A_42 = arith.addi %scan3A_40, %scan3A_41 : i32
    %scan3A_43 = arith.constant 1 : i32
    scf.for %scan3A_63 = %scan3A_40 to %scan3A_42 step %scan3A_43  : i32 {
      %mul3A_64 = arith.constant 2 : i32
      %mul3A_65 = arith.muli %mul3A_64, %scan3A_63 : i32
      %add3A_66 = arith.constant 1 : i32
      %add3A_67 = arith.addi %mul3A_65, %add3A_66 : i32
      %jit3A = arith.constant 2 : i32
      %div3A = arith.divsi %add3A_67, %jit3A : i32
      %sign3A = arith.constant 0 : i32
      %sign3A_68 = arith.cmpi sgt, %add3A_67, %sign3A : i32
      %sign3A_69 = arith.extui %sign3A_68 : i1 to i32
      %sign3A_70 = arith.constant 0 : i32
      %sign3A_71 = arith.cmpi slt, %add3A_67, %sign3A_70 : i32
      %sign3A_72 = arith.extui %sign3A_71 : i1 to i32
      %sign3A_73 = arith.subi %sign3A_69, %sign3A_72 : i32
      %sign3A_74 = arith.constant 0 : i32
      %sign3A_75 = arith.cmpi sgt, %jit3A, %sign3A_74 : i32
      %sign3A_76 = arith.extui %sign3A_75 : i1 to i32
      %sign3A_77 = arith.constant 0 : i32
      %sign3A_78 = arith.cmpi slt, %jit3A, %sign3A_77 : i32
      %sign3A_79 = arith.extui %sign3A_78 : i1 to i32
      %sign3A_80 = arith.subi %sign3A_76, %sign3A_79 : i32
      %ne3A = arith.cmpi ne, %sign3A_73, %sign3A_80 : i32
      %rem3A = arith.remsi %add3A_67, %jit3A : i32
      %ne3A_81 = arith.constant 0 : i32
      %ne3A_82 = arith.cmpi ne, %rem3A, %ne3A_81 : i32
      %and3A = arith.andi %ne3A, %ne3A_82 : i1
      %sub3A = arith.constant 1 : i32
      %sub3A_83 = arith.subi %div3A, %sub3A : i32
      %select_n3A = arith.select %and3A, %sub3A_83, %div3A : i32
      %jit3A_84 = arith.constant 2 : i32
      %eq3A = arith.constant 0 : i32
      %eq3A_85 = arith.cmpi eq, %jit3A_84, %eq3A : i32
      %jit3A_86 = arith.constant 1 : i32
      %select_n3A_87 = arith.select %eq3A_85, %jit3A_86, %jit3A_84 : i32
      %rem3A_88 = arith.remsi %add3A_67, %select_n3A_87 : i32
      %ne3A_89 = arith.constant 0 : i32
      %ne3A_90 = arith.cmpi ne, %rem3A_88, %ne3A_89 : i32
      %lt3A = arith.constant 0 : i32
      %lt3A_91 = arith.cmpi slt, %rem3A_88, %lt3A : i32
      %lt3A_92 = arith.constant 0 : i32
      %lt3A_93 = arith.cmpi slt, %select_n3A_87, %lt3A_92 : i32
      %ne3A_94 = arith.xori %lt3A_91, %lt3A_93 : i1
      %and3A_95 = arith.andi %ne3A_94, %ne3A_90 : i1
      %add3A_96 = arith.addi %rem3A_88, %select_n3A_87 : i32
      %select_n3A_97 = arith.select %and3A_95, %add3A_96, %rem3A_88 : i32
      %mul3A_98 = arith.constant 20480 : i32
      %mul3A_99 = arith.muli %select_n3A, %mul3A_98 : i32
      %add3A_100 = arith.addi %mul3A_99, %mul3A_2 : i32
      %mul3A_101 = arith.constant 320 : i32
      %mul3A_102 = arith.muli %select_n3A_97, %mul3A_101 : i32
      %add3A_103 = arith.addi %add3A_100, %mul3A_102 : i32
      "tpu.region"() ({
        %run_scoped3A_252 = tpu.sem_alloc : memref<!tpu.dma_semaphore, #tpu.memory_space<semaphore_mem>>
        %dma_start3A_253 = tpu.memref_slice %arg4[%add3A_103] : memref<245760xi32, #tpu.memory_space<hbm>> -> memref<320xi32, #tpu.memory_space<hbm>>
        %dma_start3A_254 = tpu.memref_slice %arg4[%add3A_103] : memref<245760xi32, #tpu.memory_space<hbm>> -> memref<320xi32, #tpu.memory_space<hbm>>
        tpu.enqueue_dma source(%dma_start3A_254 : memref<320xi32, #tpu.memory_space<hbm>>) target(%arg10 : memref<320xi32, #tpu.memory_space<vmem>>) target_semaphore(%run_scoped3A_252 : memref<!tpu.dma_semaphore, #tpu.memory_space<semaphore_mem>>)
        %dma_wait3A_255 = tpu.memref_slice %arg4[%add3A_103] : memref<245760xi32, #tpu.memory_space<hbm>> -> memref<320xi32, #tpu.memory_space<hbm>>
        %dma_wait3A_256 = tpu.memref_slice %arg4[%add3A_103] : memref<245760xi32, #tpu.memory_space<hbm>> -> memref<320xi32, #tpu.memory_space<hbm>>
        tpu.wait_dma2 semaphore(%run_scoped3A_252 : memref<!tpu.dma_semaphore, #tpu.memory_space<semaphore_mem>>) src(%dma_wait3A_256 : memref<320xi32, #tpu.memory_space<hbm>>) dst(%arg10 : memref<320xi32, #tpu.memory_space<vmem>>)
        tpu.yield
      }) : () -> ()
      %dma_start3A_104 = arith.constant 0 : i32
      %dma_start3A_105 = arith.constant 0 : i32
      %dma_start3A_106 = tpu.memref_slice %arg5[%dma_start3A_104, %dma_start3A_105] : memref<100000x128xf32, #tpu.memory_space<hbm>> -> memref<100000x128xf32, #tpu.memory_space<hbm>>
      tpu.enqueue_indirect_dma source(%dma_start3A_106 : memref<100000x128xf32, #tpu.memory_space<hbm>>) target(%arg12 : memref<320x128xf32, #tpu.memory_space<vmem>>) offsets(%arg10 : memref<320xi32, #tpu.memory_space<vmem>>) semaphore(%arg14 : memref<!tpu.dma_semaphore, #tpu.memory_space<semaphore_mem>>)
      %dma_wait3A_107 = arith.constant 0 : i32
      %dma_wait3A_108 = arith.constant 0 : i32
      %dma_wait3A_109 = tpu.memref_slice %arg5[%dma_wait3A_107, %dma_wait3A_108] : memref<100000x128xf32, #tpu.memory_space<hbm>> -> memref<100000x128xf32, #tpu.memory_space<hbm>>
      tpu.wait_indirect_dma semaphore(%arg13 : memref<!tpu.dma_semaphore, #tpu.memory_space<semaphore_mem>>) src(%dma_wait3A_109 : memref<100000x128xf32, #tpu.memory_space<hbm>>) dst(%arg11 : memref<320x128xf32, #tpu.memory_space<vmem>>)
      %jit3A_110 = arith.constant 2 : i32
      %div3A_111 = arith.divsi %mul3A_65, %jit3A_110 : i32
      %sign3A_112 = arith.constant 0 : i32
      %sign3A_113 = arith.cmpi sgt, %mul3A_65, %sign3A_112 : i32
      %sign3A_114 = arith.extui %sign3A_113 : i1 to i32
      %sign3A_115 = arith.constant 0 : i32
      %sign3A_116 = arith.cmpi slt, %mul3A_65, %sign3A_115 : i32
      %sign3A_117 = arith.extui %sign3A_116 : i1 to i32
      %sign3A_118 = arith.subi %sign3A_114, %sign3A_117 : i32
      %sign3A_119 = arith.constant 0 : i32
      %sign3A_120 = arith.cmpi sgt, %jit3A_110, %sign3A_119 : i32
      %sign3A_121 = arith.extui %sign3A_120 : i1 to i32
      %sign3A_122 = arith.constant 0 : i32
      %sign3A_123 = arith.cmpi slt, %jit3A_110, %sign3A_122 : i32
      %sign3A_124 = arith.extui %sign3A_123 : i1 to i32
      %sign3A_125 = arith.subi %sign3A_121, %sign3A_124 : i32
      %ne3A_126 = arith.cmpi ne, %sign3A_118, %sign3A_125 : i32
      %rem3A_127 = arith.remsi %mul3A_65, %jit3A_110 : i32
      %ne3A_128 = arith.constant 0 : i32
      %ne3A_129 = arith.cmpi ne, %rem3A_127, %ne3A_128 : i32
      %and3A_130 = arith.andi %ne3A_126, %ne3A_129 : i1
      %sub3A_131 = arith.constant 1 : i32
      %sub3A_132 = arith.subi %div3A_111, %sub3A_131 : i32
      %select_n3A_133 = arith.select %and3A_130, %sub3A_132, %div3A_111 : i32
      %jit3A_134 = arith.constant 2 : i32
      %eq3A_135 = arith.constant 0 : i32
      %eq3A_136 = arith.cmpi eq, %jit3A_134, %eq3A_135 : i32
      %jit3A_137 = arith.constant 1 : i32
      %select_n3A_138 = arith.select %eq3A_136, %jit3A_137, %jit3A_134 : i32
      %rem3A_139 = arith.remsi %mul3A_65, %select_n3A_138 : i32
      %ne3A_140 = arith.constant 0 : i32
      %ne3A_141 = arith.cmpi ne, %rem3A_139, %ne3A_140 : i32
      %lt3A_142 = arith.constant 0 : i32
      %lt3A_143 = arith.cmpi slt, %rem3A_139, %lt3A_142 : i32
      %lt3A_144 = arith.constant 0 : i32
      %lt3A_145 = arith.cmpi slt, %select_n3A_138, %lt3A_144 : i32
      %ne3A_146 = arith.xori %lt3A_143, %lt3A_145 : i1
      %and3A_147 = arith.andi %ne3A_146, %ne3A_141 : i1
      %add3A_148 = arith.addi %rem3A_139, %select_n3A_138 : i32
      %select_n3A_149 = arith.select %and3A_147, %add3A_148, %rem3A_139 : i32
      %mul3A_150 = arith.constant 320 : i32
      %mul3A_151 = arith.muli %select_n3A_149, %mul3A_150 : i32
      %add3A_152 = arith.addi %mul3A_2, %mul3A_151 : i32
      "tpu.region"() ({
        %run_scoped3A_252 = tpu.sem_alloc : memref<!tpu.dma_semaphore, #tpu.memory_space<semaphore_mem>>
        %dma_start3A_253 = arith.constant 0 : i32
        %dma_start3A_254 = tpu.memref_slice %arg8[%select_n3A_133, %add3A_152, %dma_start3A_253] : memref<12x20480x128xf32, #tpu.memory_space<hbm>> -> memref<1x320x128xf32, #tpu.memory_space<hbm>>
        %dma_start3A_255 = tpu.memref_squeeze %dma_start3A_254 : memref<1x320x128xf32, #tpu.memory_space<hbm>> -> memref<320x128xf32, #tpu.memory_space<hbm>>
        %dma_start3A_256 = arith.constant 0 : i32
        %dma_start3A_257 = tpu.memref_slice %arg8[%select_n3A_133, %add3A_152, %dma_start3A_256] : memref<12x20480x128xf32, #tpu.memory_space<hbm>> -> memref<1x320x128xf32, #tpu.memory_space<hbm>>
        %dma_start3A_258 = tpu.memref_squeeze %dma_start3A_257 : memref<1x320x128xf32, #tpu.memory_space<hbm>> -> memref<320x128xf32, #tpu.memory_space<hbm>>
        tpu.enqueue_dma source(%arg11 : memref<320x128xf32, #tpu.memory_space<vmem>>) target(%dma_start3A_258 : memref<320x128xf32, #tpu.memory_space<hbm>>) target_semaphore(%run_scoped3A_252 : memref<!tpu.dma_semaphore, #tpu.memory_space<semaphore_mem>>)
        %dma_wait3A_259 = arith.constant 0 : i32
        %dma_wait3A_260 = tpu.memref_slice %arg8[%select_n3A_133, %add3A_152, %dma_wait3A_259] : memref<12x20480x128xf32, #tpu.memory_space<hbm>> -> memref<1x320x128xf32, #tpu.memory_space<hbm>>
        %dma_wait3A_261 = tpu.memref_squeeze %dma_wait3A_260 : memref<1x320x128xf32, #tpu.memory_space<hbm>> -> memref<320x128xf32, #tpu.memory_space<hbm>>
        %dma_wait3A_262 = arith.constant 0 : i32
        %dma_wait3A_263 = tpu.memref_slice %arg8[%select_n3A_133, %add3A_152, %dma_wait3A_262] : memref<12x20480x128xf32, #tpu.memory_space<hbm>> -> memref<1x320x128xf32, #tpu.memory_space<hbm>>
        %dma_wait3A_264 = tpu.memref_squeeze %dma_wait3A_263 : memref<1x320x128xf32, #tpu.memory_space<hbm>> -> memref<320x128xf32, #tpu.memory_space<hbm>>
        tpu.wait_dma2 semaphore(%run_scoped3A_252 : memref<!tpu.dma_semaphore, #tpu.memory_space<semaphore_mem>>) src(%arg11 : memref<320x128xf32, #tpu.memory_space<vmem>>) dst(%dma_wait3A_264 : memref<320x128xf32, #tpu.memory_space<hbm>>)
        tpu.yield
      }) : () -> ()
      %add3A_153 = arith.constant 2 : i32
      %add3A_154 = arith.addi %mul3A_65, %add3A_153 : i32
      %jit3A_155 = arith.constant 2 : i32
      %div3A_156 = arith.divsi %add3A_154, %jit3A_155 : i32
      %sign3A_157 = arith.constant 0 : i32
      %sign3A_158 = arith.cmpi sgt, %add3A_154, %sign3A_157 : i32
      %sign3A_159 = arith.extui %sign3A_158 : i1 to i32
      %sign3A_160 = arith.constant 0 : i32
      %sign3A_161 = arith.cmpi slt, %add3A_154, %sign3A_160 : i32
      %sign3A_162 = arith.extui %sign3A_161 : i1 to i32
      %sign3A_163 = arith.subi %sign3A_159, %sign3A_162 : i32
      %sign3A_164 = arith.constant 0 : i32
      %sign3A_165 = arith.cmpi sgt, %jit3A_155, %sign3A_164 : i32
      %sign3A_166 = arith.extui %sign3A_165 : i1 to i32
      %sign3A_167 = arith.constant 0 : i32
      %sign3A_168 = arith.cmpi slt, %jit3A_155, %sign3A_167 : i32
      %sign3A_169 = arith.extui %sign3A_168 : i1 to i32
      %sign3A_170 = arith.subi %sign3A_166, %sign3A_169 : i32
      %ne3A_171 = arith.cmpi ne, %sign3A_163, %sign3A_170 : i32
      %rem3A_172 = arith.remsi %add3A_154, %jit3A_155 : i32
      %ne3A_173 = arith.constant 0 : i32
      %ne3A_174 = arith.cmpi ne, %rem3A_172, %ne3A_173 : i32
      %and3A_175 = arith.andi %ne3A_171, %ne3A_174 : i1
      %sub3A_176 = arith.constant 1 : i32
      %sub3A_177 = arith.subi %div3A_156, %sub3A_176 : i32
      %select_n3A_178 = arith.select %and3A_175, %sub3A_177, %div3A_156 : i32
      %jit3A_179 = arith.constant 2 : i32
      %eq3A_180 = arith.constant 0 : i32
      %eq3A_181 = arith.cmpi eq, %jit3A_179, %eq3A_180 : i32
      %jit3A_182 = arith.constant 1 : i32
      %select_n3A_183 = arith.select %eq3A_181, %jit3A_182, %jit3A_179 : i32
      %rem3A_184 = arith.remsi %add3A_154, %select_n3A_183 : i32
      %ne3A_185 = arith.constant 0 : i32
      %ne3A_186 = arith.cmpi ne, %rem3A_184, %ne3A_185 : i32
      %lt3A_187 = arith.constant 0 : i32
      %lt3A_188 = arith.cmpi slt, %rem3A_184, %lt3A_187 : i32
      %lt3A_189 = arith.constant 0 : i32
      %lt3A_190 = arith.cmpi slt, %select_n3A_183, %lt3A_189 : i32
      %ne3A_191 = arith.xori %lt3A_188, %lt3A_190 : i1
      %and3A_192 = arith.andi %ne3A_191, %ne3A_186 : i1
      %add3A_193 = arith.addi %rem3A_184, %select_n3A_183 : i32
      %select_n3A_194 = arith.select %and3A_192, %add3A_193, %rem3A_184 : i32
      %mul3A_195 = arith.constant 20480 : i32
      %mul3A_196 = arith.muli %select_n3A_178, %mul3A_195 : i32
      %add3A_197 = arith.addi %mul3A_196, %mul3A_2 : i32
      %mul3A_198 = arith.constant 320 : i32
      %mul3A_199 = arith.muli %select_n3A_194, %mul3A_198 : i32
      %add3A_200 = arith.addi %add3A_197, %mul3A_199 : i32
      "tpu.region"() ({
        %run_scoped3A_252 = tpu.sem_alloc : memref<!tpu.dma_semaphore, #tpu.memory_space<semaphore_mem>>
        %dma_start3A_253 = tpu.memref_slice %arg4[%add3A_200] : memref<245760xi32, #tpu.memory_space<hbm>> -> memref<320xi32, #tpu.memory_space<hbm>>
        %dma_start3A_254 = tpu.memref_slice %arg4[%add3A_200] : memref<245760xi32, #tpu.memory_space<hbm>> -> memref<320xi32, #tpu.memory_space<hbm>>
        tpu.enqueue_dma source(%dma_start3A_254 : memref<320xi32, #tpu.memory_space<hbm>>) target(%arg9 : memref<320xi32, #tpu.memory_space<vmem>>) target_semaphore(%run_scoped3A_252 : memref<!tpu.dma_semaphore, #tpu.memory_space<semaphore_mem>>)
        %dma_wait3A_255 = tpu.memref_slice %arg4[%add3A_200] : memref<245760xi32, #tpu.memory_space<hbm>> -> memref<320xi32, #tpu.memory_space<hbm>>
        %dma_wait3A_256 = tpu.memref_slice %arg4[%add3A_200] : memref<245760xi32, #tpu.memory_space<hbm>> -> memref<320xi32, #tpu.memory_space<hbm>>
        tpu.wait_dma2 semaphore(%run_scoped3A_252 : memref<!tpu.dma_semaphore, #tpu.memory_space<semaphore_mem>>) src(%dma_wait3A_256 : memref<320xi32, #tpu.memory_space<hbm>>) dst(%arg9 : memref<320xi32, #tpu.memory_space<vmem>>)
        tpu.yield
      }) : () -> ()
      %dma_start3A_201 = arith.constant 0 : i32
      %dma_start3A_202 = arith.constant 0 : i32
      %dma_start3A_203 = tpu.memref_slice %arg5[%dma_start3A_201, %dma_start3A_202] : memref<100000x128xf32, #tpu.memory_space<hbm>> -> memref<100000x128xf32, #tpu.memory_space<hbm>>
      tpu.enqueue_indirect_dma source(%dma_start3A_203 : memref<100000x128xf32, #tpu.memory_space<hbm>>) target(%arg11 : memref<320x128xf32, #tpu.memory_space<vmem>>) offsets(%arg9 : memref<320xi32, #tpu.memory_space<vmem>>) semaphore(%arg13 : memref<!tpu.dma_semaphore, #tpu.memory_space<semaphore_mem>>)
      %dma_wait3A_204 = arith.constant 0 : i32
      %dma_wait3A_205 = arith.constant 0 : i32
      %dma_wait3A_206 = tpu.memref_slice %arg5[%dma_wait3A_204, %dma_wait3A_205] : memref<100000x128xf32, #tpu.memory_space<hbm>> -> memref<100000x128xf32, #tpu.memory_space<hbm>>
      tpu.wait_indirect_dma semaphore(%arg14 : memref<!tpu.dma_semaphore, #tpu.memory_space<semaphore_mem>>) src(%dma_wait3A_206 : memref<100000x128xf32, #tpu.memory_space<hbm>>) dst(%arg12 : memref<320x128xf32, #tpu.memory_space<vmem>>)
      %add3A_207 = arith.constant 1 : i32
      %add3A_208 = arith.addi %mul3A_65, %add3A_207 : i32
      %jit3A_209 = arith.constant 2 : i32
      %div3A_210 = arith.divsi %add3A_208, %jit3A_209 : i32
      %sign3A_211 = arith.constant 0 : i32
      %sign3A_212 = arith.cmpi sgt, %add3A_208, %sign3A_211 : i32
      %sign3A_213 = arith.extui %sign3A_212 : i1 to i32
      %sign3A_214 = arith.constant 0 : i32
      %sign3A_215 = arith.cmpi slt, %add3A_208, %sign3A_214 : i32
      %sign3A_216 = arith.extui %sign3A_215 : i1 to i32
      %sign3A_217 = arith.subi %sign3A_213, %sign3A_216 : i32
      %sign3A_218 = arith.constant 0 : i32
      %sign3A_219 = arith.cmpi sgt, %jit3A_209, %sign3A_218 : i32
      %sign3A_220 = arith.extui %sign3A_219 : i1 to i32
      %sign3A_221 = arith.constant 0 : i32
      %sign3A_222 = arith.cmpi slt, %jit3A_209, %sign3A_221 : i32
      %sign3A_223 = arith.extui %sign3A_222 : i1 to i32
      %sign3A_224 = arith.subi %sign3A_220, %sign3A_223 : i32
      %ne3A_225 = arith.cmpi ne, %sign3A_217, %sign3A_224 : i32
      %rem3A_226 = arith.remsi %add3A_208, %jit3A_209 : i32
      %ne3A_227 = arith.constant 0 : i32
      %ne3A_228 = arith.cmpi ne, %rem3A_226, %ne3A_227 : i32
      %and3A_229 = arith.andi %ne3A_225, %ne3A_228 : i1
      %sub3A_230 = arith.constant 1 : i32
      %sub3A_231 = arith.subi %div3A_210, %sub3A_230 : i32
      %select_n3A_232 = arith.select %and3A_229, %sub3A_231, %div3A_210 : i32
      %jit3A_233 = arith.constant 2 : i32
      %eq3A_234 = arith.constant 0 : i32
      %eq3A_235 = arith.cmpi eq, %jit3A_233, %eq3A_234 : i32
      %jit3A_236 = arith.constant 1 : i32
      %select_n3A_237 = arith.select %eq3A_235, %jit3A_236, %jit3A_233 : i32
      %rem3A_238 = arith.remsi %add3A_208, %select_n3A_237 : i32
      %ne3A_239 = arith.constant 0 : i32
      %ne3A_240 = arith.cmpi ne, %rem3A_238, %ne3A_239 : i32
      %lt3A_241 = arith.constant 0 : i32
      %lt3A_242 = arith.cmpi slt, %rem3A_238, %lt3A_241 : i32
      %lt3A_243 = arith.constant 0 : i32
      %lt3A_244 = arith.cmpi slt, %select_n3A_237, %lt3A_243 : i32
      %ne3A_245 = arith.xori %lt3A_242, %lt3A_244 : i1
      %and3A_246 = arith.andi %ne3A_245, %ne3A_240 : i1
      %add3A_247 = arith.addi %rem3A_238, %select_n3A_237 : i32
      %select_n3A_248 = arith.select %and3A_246, %add3A_247, %rem3A_238 : i32
      %mul3A_249 = arith.constant 320 : i32
      %mul3A_250 = arith.muli %select_n3A_248, %mul3A_249 : i32
      %add3A_251 = arith.addi %mul3A_2, %mul3A_250 : i32
      "tpu.region"() ({
        %run_scoped3A_252 = tpu.sem_alloc : memref<!tpu.dma_semaphore, #tpu.memory_space<semaphore_mem>>
        %dma_start3A_253 = arith.constant 0 : i32
        %dma_start3A_254 = tpu.memref_slice %arg8[%select_n3A_232, %add3A_251, %dma_start3A_253] : memref<12x20480x128xf32, #tpu.memory_space<hbm>> -> memref<1x320x128xf32, #tpu.memory_space<hbm>>
        %dma_start3A_255 = tpu.memref_squeeze %dma_start3A_254 : memref<1x320x128xf32, #tpu.memory_space<hbm>> -> memref<320x128xf32, #tpu.memory_space<hbm>>
        %dma_start3A_256 = arith.constant 0 : i32
        %dma_start3A_257 = tpu.memref_slice %arg8[%select_n3A_232, %add3A_251, %dma_start3A_256] : memref<12x20480x128xf32, #tpu.memory_space<hbm>> -> memref<1x320x128xf32, #tpu.memory_space<hbm>>
        %dma_start3A_258 = tpu.memref_squeeze %dma_start3A_257 : memref<1x320x128xf32, #tpu.memory_space<hbm>> -> memref<320x128xf32, #tpu.memory_space<hbm>>
        tpu.enqueue_dma source(%arg12 : memref<320x128xf32, #tpu.memory_space<vmem>>) target(%dma_start3A_258 : memref<320x128xf32, #tpu.memory_space<hbm>>) target_semaphore(%run_scoped3A_252 : memref<!tpu.dma_semaphore, #tpu.memory_space<semaphore_mem>>)
        %dma_wait3A_259 = arith.constant 0 : i32
        %dma_wait3A_260 = tpu.memref_slice %arg8[%select_n3A_232, %add3A_251, %dma_wait3A_259] : memref<12x20480x128xf32, #tpu.memory_space<hbm>> -> memref<1x320x128xf32, #tpu.memory_space<hbm>>
        %dma_wait3A_261 = tpu.memref_squeeze %dma_wait3A_260 : memref<1x320x128xf32, #tpu.memory_space<hbm>> -> memref<320x128xf32, #tpu.memory_space<hbm>>
        %dma_wait3A_262 = arith.constant 0 : i32
        %dma_wait3A_263 = tpu.memref_slice %arg8[%select_n3A_232, %add3A_251, %dma_wait3A_262] : memref<12x20480x128xf32, #tpu.memory_space<hbm>> -> memref<1x320x128xf32, #tpu.memory_space<hbm>>
        %dma_wait3A_264 = tpu.memref_squeeze %dma_wait3A_263 : memref<1x320x128xf32, #tpu.memory_space<hbm>> -> memref<320x128xf32, #tpu.memory_space<hbm>>
        tpu.wait_dma2 semaphore(%run_scoped3A_252 : memref<!tpu.dma_semaphore, #tpu.memory_space<semaphore_mem>>) src(%arg12 : memref<320x128xf32, #tpu.memory_space<vmem>>) dst(%dma_wait3A_264 : memref<320x128xf32, #tpu.memory_space<hbm>>)
        tpu.yield
      }) : () -> ()
    }
    %scan3A_44 = arith.constant 11 : i32
    %add3A_45 = arith.constant 225280 : i32
    %add3A_46 = arith.addi %add3A_45, %mul3A_2 : i32
    %add3A_47 = arith.constant 320 : i32
    %add3A_48 = arith.addi %add3A_46, %add3A_47 : i32
    "tpu.region"() ({
      %run_scoped3A_63 = tpu.sem_alloc : memref<!tpu.dma_semaphore, #tpu.memory_space<semaphore_mem>>
      %dma_start3A_64 = tpu.memref_slice %arg4[%add3A_48] : memref<245760xi32, #tpu.memory_space<hbm>> -> memref<320xi32, #tpu.memory_space<hbm>>
      %dma_start3A_65 = tpu.memref_slice %arg4[%add3A_48] : memref<245760xi32, #tpu.memory_space<hbm>> -> memref<320xi32, #tpu.memory_space<hbm>>
      tpu.enqueue_dma source(%dma_start3A_65 : memref<320xi32, #tpu.memory_space<hbm>>) target(%arg10 : memref<320xi32, #tpu.memory_space<vmem>>) target_semaphore(%run_scoped3A_63 : memref<!tpu.dma_semaphore, #tpu.memory_space<semaphore_mem>>)
      %dma_wait3A_66 = tpu.memref_slice %arg4[%add3A_48] : memref<245760xi32, #tpu.memory_space<hbm>> -> memref<320xi32, #tpu.memory_space<hbm>>
      %dma_wait3A_67 = tpu.memref_slice %arg4[%add3A_48] : memref<245760xi32, #tpu.memory_space<hbm>> -> memref<320xi32, #tpu.memory_space<hbm>>
      tpu.wait_dma2 semaphore(%run_scoped3A_63 : memref<!tpu.dma_semaphore, #tpu.memory_space<semaphore_mem>>) src(%dma_wait3A_67 : memref<320xi32, #tpu.memory_space<hbm>>) dst(%arg10 : memref<320xi32, #tpu.memory_space<vmem>>)
      tpu.yield
    }) : () -> ()
    %dma_start3A_49 = arith.constant 0 : i32
    %dma_start3A_50 = arith.constant 0 : i32
    %dma_start3A_51 = tpu.memref_slice %arg5[%dma_start3A_49, %dma_start3A_50] : memref<100000x128xf32, #tpu.memory_space<hbm>> -> memref<100000x128xf32, #tpu.memory_space<hbm>>
    tpu.enqueue_indirect_dma source(%dma_start3A_51 : memref<100000x128xf32, #tpu.memory_space<hbm>>) target(%arg12 : memref<320x128xf32, #tpu.memory_space<vmem>>) offsets(%arg10 : memref<320xi32, #tpu.memory_space<vmem>>) semaphore(%arg14 : memref<!tpu.dma_semaphore, #tpu.memory_space<semaphore_mem>>)
    %dma_wait3A_52 = arith.constant 0 : i32
    %dma_wait3A_53 = arith.constant 0 : i32
    %dma_wait3A_54 = tpu.memref_slice %arg5[%dma_wait3A_52, %dma_wait3A_53] : memref<100000x128xf32, #tpu.memory_space<hbm>> -> memref<100000x128xf32, #tpu.memory_space<hbm>>
    tpu.wait_indirect_dma semaphore(%arg13 : memref<!tpu.dma_semaphore, #tpu.memory_space<semaphore_mem>>) src(%dma_wait3A_54 : memref<100000x128xf32, #tpu.memory_space<hbm>>) dst(%arg11 : memref<320x128xf32, #tpu.memory_space<vmem>>)
    %add3A_55 = arith.constant 0 : i32
    %add3A_56 = arith.addi %mul3A_2, %add3A_55 : i32
    %run_scoped3A = arith.constant 11 : i32
    "tpu.region"() ({
      %run_scoped3A_63 = tpu.sem_alloc : memref<!tpu.dma_semaphore, #tpu.memory_space<semaphore_mem>>
      %dma_start3A_64 = arith.constant 0 : i32
      %dma_start3A_65 = tpu.memref_slice %arg8[%run_scoped3A, %add3A_56, %dma_start3A_64] : memref<12x20480x128xf32, #tpu.memory_space<hbm>> -> memref<1x320x128xf32, #tpu.memory_space<hbm>>
      %dma_start3A_66 = tpu.memref_squeeze %dma_start3A_65 : memref<1x320x128xf32, #tpu.memory_space<hbm>> -> memref<320x128xf32, #tpu.memory_space<hbm>>
      %dma_start3A_67 = arith.constant 0 : i32
      %dma_start3A_68 = tpu.memref_slice %arg8[%run_scoped3A, %add3A_56, %dma_start3A_67] : memref<12x20480x128xf32, #tpu.memory_space<hbm>> -> memref<1x320x128xf32, #tpu.memory_space<hbm>>
      %dma_start3A_69 = tpu.memref_squeeze %dma_start3A_68 : memref<1x320x128xf32, #tpu.memory_space<hbm>> -> memref<320x128xf32, #tpu.memory_space<hbm>>
      tpu.enqueue_dma source(%arg11 : memref<320x128xf32, #tpu.memory_space<vmem>>) target(%dma_start3A_69 : memref<320x128xf32, #tpu.memory_space<hbm>>) target_semaphore(%run_scoped3A_63 : memref<!tpu.dma_semaphore, #tpu.memory_space<semaphore_mem>>)
      %dma_wait3A_70 = arith.constant 0 : i32
      %dma_wait3A_71 = tpu.memref_slice %arg8[%run_scoped3A, %add3A_56, %dma_wait3A_70] : memref<12x20480x128xf32, #tpu.memory_space<hbm>> -> memref<1x320x128xf32, #tpu.memory_space<hbm>>
      %dma_wait3A_72 = tpu.memref_squeeze %dma_wait3A_71 : memref<1x320x128xf32, #tpu.memory_space<hbm>> -> memref<320x128xf32, #tpu.memory_space<hbm>>
      %dma_wait3A_73 = arith.constant 0 : i32
      %dma_wait3A_74 = tpu.memref_slice %arg8[%run_scoped3A, %add3A_56, %dma_wait3A_73] : memref<12x20480x128xf32, #tpu.memory_space<hbm>> -> memref<1x320x128xf32, #tpu.memory_space<hbm>>
      %dma_wait3A_75 = tpu.memref_squeeze %dma_wait3A_74 : memref<1x320x128xf32, #tpu.memory_space<hbm>> -> memref<320x128xf32, #tpu.memory_space<hbm>>
      tpu.wait_dma2 semaphore(%run_scoped3A_63 : memref<!tpu.dma_semaphore, #tpu.memory_space<semaphore_mem>>) src(%arg11 : memref<320x128xf32, #tpu.memory_space<vmem>>) dst(%dma_wait3A_75 : memref<320x128xf32, #tpu.memory_space<hbm>>)
      tpu.yield
    }) : () -> ()
    %dma_wait3A_57 = arith.constant 0 : i32
    %dma_wait3A_58 = arith.constant 0 : i32
    %dma_wait3A_59 = tpu.memref_slice %arg5[%dma_wait3A_57, %dma_wait3A_58] : memref<100000x128xf32, #tpu.memory_space<hbm>> -> memref<100000x128xf32, #tpu.memory_space<hbm>>
    tpu.wait_indirect_dma semaphore(%arg14 : memref<!tpu.dma_semaphore, #tpu.memory_space<semaphore_mem>>) src(%dma_wait3A_59 : memref<100000x128xf32, #tpu.memory_space<hbm>>) dst(%arg12 : memref<320x128xf32, #tpu.memory_space<vmem>>)
    %add3A_60 = arith.constant 320 : i32
    %add3A_61 = arith.addi %mul3A_2, %add3A_60 : i32
    %run_scoped3A_62 = arith.constant 11 : i32
    "tpu.region"() ({
      %run_scoped3A_63 = tpu.sem_alloc : memref<!tpu.dma_semaphore, #tpu.memory_space<semaphore_mem>>
      %dma_start3A_64 = arith.constant 0 : i32
      %dma_start3A_65 = tpu.memref_slice %arg8[%run_scoped3A_62, %add3A_61, %dma_start3A_64] : memref<12x20480x128xf32, #tpu.memory_space<hbm>> -> memref<1x320x128xf32, #tpu.memory_space<hbm>>
      %dma_start3A_66 = tpu.memref_squeeze %dma_start3A_65 : memref<1x320x128xf32, #tpu.memory_space<hbm>> -> memref<320x128xf32, #tpu.memory_space<hbm>>
      %dma_start3A_67 = arith.constant 0 : i32
      %dma_start3A_68 = tpu.memref_slice %arg8[%run_scoped3A_62, %add3A_61, %dma_start3A_67] : memref<12x20480x128xf32, #tpu.memory_space<hbm>> -> memref<1x320x128xf32, #tpu.memory_space<hbm>>
      %dma_start3A_69 = tpu.memref_squeeze %dma_start3A_68 : memref<1x320x128xf32, #tpu.memory_space<hbm>> -> memref<320x128xf32, #tpu.memory_space<hbm>>
      tpu.enqueue_dma source(%arg12 : memref<320x128xf32, #tpu.memory_space<vmem>>) target(%dma_start3A_69 : memref<320x128xf32, #tpu.memory_space<hbm>>) target_semaphore(%run_scoped3A_63 : memref<!tpu.dma_semaphore, #tpu.memory_space<semaphore_mem>>)
      %dma_wait3A_70 = arith.constant 0 : i32
      %dma_wait3A_71 = tpu.memref_slice %arg8[%run_scoped3A_62, %add3A_61, %dma_wait3A_70] : memref<12x20480x128xf32, #tpu.memory_space<hbm>> -> memref<1x320x128xf32, #tpu.memory_space<hbm>>
      %dma_wait3A_72 = tpu.memref_squeeze %dma_wait3A_71 : memref<1x320x128xf32, #tpu.memory_space<hbm>> -> memref<320x128xf32, #tpu.memory_space<hbm>>
      %dma_wait3A_73 = arith.constant 0 : i32
      %dma_wait3A_74 = tpu.memref_slice %arg8[%run_scoped3A_62, %add3A_61, %dma_wait3A_73] : memref<12x20480x128xf32, #tpu.memory_space<hbm>> -> memref<1x320x128xf32, #tpu.memory_space<hbm>>
      %dma_wait3A_75 = tpu.memref_squeeze %dma_wait3A_74 : memref<1x320x128xf32, #tpu.memory_space<hbm>> -> memref<320x128xf32, #tpu.memory_space<hbm>>
      tpu.wait_dma2 semaphore(%run_scoped3A_63 : memref<!tpu.dma_semaphore, #tpu.memory_space<semaphore_mem>>) src(%arg12 : memref<320x128xf32, #tpu.memory_space<vmem>>) dst(%dma_wait3A_75 : memref<320x128xf32, #tpu.memory_space<hbm>>)
      tpu.yield
    }) : () -> ()
    return
  }
}

module attributes {stable_mosaic.version = 14 : i64} {
  func.func @_dense_body(%arg0: i32, %arg1: memref<320x128xf32, #tpu.memory_space<vmem>>, %arg2: memref<320x128xf32, #tpu.memory_space<vmem>>, %arg3: memref<12x320x128xf32, #tpu.memory_space<vmem>>, %arg4: memref<12x320x1xf32, #tpu.memory_space<vmem>>, %arg5: memref<16x20x20xi32, #tpu.memory_space<vmem>>, %arg6: memref<16x20x1xf32, #tpu.memory_space<vmem>>, %arg7: memref<16x1x20xf32, #tpu.memory_space<vmem>>, %arg8: memref<320x1xf32, #tpu.memory_space<vmem>>, %arg9: memref<4x128xf32, #tpu.memory_space<vmem>>, %arg10: memref<1x1xf32, #tpu.memory_space<vmem>>, %arg11: memref<128x128xf32, #tpu.memory_space<vmem>>, %arg12: memref<1x128xf32, #tpu.memory_space<vmem>>, %arg13: memref<128x1xf32, #tpu.memory_space<vmem>>, %arg14: memref<128x128xf32, #tpu.memory_space<vmem>>, %arg15: memref<128x128xf32, #tpu.memory_space<vmem>>, %arg16: memref<1x128xf32, #tpu.memory_space<vmem>>, %arg17: memref<16x20x128xf32, #tpu.memory_space<vmem>>, %arg18: memref<320x128xf32, #tpu.memory_space<vmem>>) attributes {dimension_semantics = [#tpu.dimension_semantics<arbitrary>], iteration_bounds = array<i64: 64>, scalar_prefetch = 0 : i64, scratch_operands = 0 : i64, tpu.core_type = #tpu.core_type<tc>, window_params = [{transform_indices = @transform_0, window_bounds = array<i64: 320, 128>}, {transform_indices = @transform_1, window_bounds = array<i64: 320, 128>}, {transform_indices = @transform_2, window_bounds = array<i64: 12, 320, 128>}, {transform_indices = @transform_3, window_bounds = array<i64: 12, 320, 1>}, {transform_indices = @transform_4, window_bounds = array<i64: 16, 20, 20>}, {transform_indices = @transform_5, window_bounds = array<i64: 16, 20, 1>}, {transform_indices = @transform_6, window_bounds = array<i64: 16, 1, 20>}, {transform_indices = @transform_7, window_bounds = array<i64: 320, 1>}, {pipeline_mode = #tpu.pipeline_mode<synchronous>, transform_indices = @transform_8, window_bounds = array<i64: 4, 128>}, {pipeline_mode = #tpu.pipeline_mode<synchronous>, transform_indices = @transform_9, window_bounds = array<i64: 1, 1>}, {pipeline_mode = #tpu.pipeline_mode<synchronous>, transform_indices = @transform_10, window_bounds = array<i64: 128, 128>}, {pipeline_mode = #tpu.pipeline_mode<synchronous>, transform_indices = @transform_11, window_bounds = array<i64: 1, 128>}, {pipeline_mode = #tpu.pipeline_mode<synchronous>, transform_indices = @transform_12, window_bounds = array<i64: 128, 1>}, {pipeline_mode = #tpu.pipeline_mode<synchronous>, transform_indices = @transform_13, window_bounds = array<i64: 128, 128>}, {pipeline_mode = #tpu.pipeline_mode<synchronous>, transform_indices = @transform_14, window_bounds = array<i64: 128, 128>}, {pipeline_mode = #tpu.pipeline_mode<synchronous>, transform_indices = @transform_15, window_bounds = array<i64: 1, 128>}, {transform_indices = @transform_16, window_bounds = array<i64: 16, 20, 128>}, {transform_indices = @transform_17, window_bounds = array<i64: 320, 128>}]} {
    %get3A = arith.constant 0 : index
    %get3A_0 = arith.constant 0 : index
    %get3A_1 = vector.load %arg1[%get3A, %get3A_0] : memref<320x128xf32, #tpu.memory_space<vmem>>, vector<320x128xf32>
    %get3A_2 = arith.constant 0 : index
    %get3A_3 = arith.constant 0 : index
    %get3A_4 = vector.load %arg2[%get3A_2, %get3A_3] : memref<320x128xf32, #tpu.memory_space<vmem>>, vector<320x128xf32>
    %get3A_5 = arith.constant 0 : index
    %get3A_6 = arith.constant 0 : index
    %get3A_7 = vector.load %arg9[%get3A_5, %get3A_6] : memref<4x128xf32, #tpu.memory_space<vmem>>, vector<4x128xf32>
    %get3A_8 = arith.constant 0 : index
    %get3A_9 = arith.constant 0 : index
    %get3A_10 = vector.load %arg10[%get3A_8, %get3A_9] : memref<1x1xf32, #tpu.memory_space<vmem>>, vector<1x1xf32>
    %get3A_11 = vector.extract %get3A_10[0, 0] : f32 from vector<1x1xf32>
    %get3A_12 = arith.constant 0 : index
    %get3A_13 = arith.constant 0 : index
    %get3A_14 = vector.load %arg11[%get3A_12, %get3A_13] : memref<128x128xf32, #tpu.memory_space<vmem>>, vector<128x128xf32>
    %get3A_15 = arith.constant 0 : index
    %get3A_16 = arith.constant 0 : index
    %get3A_17 = vector.load %arg12[%get3A_15, %get3A_16] : memref<1x128xf32, #tpu.memory_space<vmem>>, vector<1x128xf32>
    %get3A_18 = arith.constant 0 : index
    %get3A_19 = arith.constant 0 : index
    %get3A_20 = vector.load %arg13[%get3A_18, %get3A_19] : memref<128x1xf32, #tpu.memory_space<vmem>>, vector<128x1xf32>
    %get3A_21 = arith.constant 0 : index
    %get3A_22 = arith.constant 0 : index
    %get3A_23 = vector.load %arg14[%get3A_21, %get3A_22] : memref<128x128xf32, #tpu.memory_space<vmem>>, vector<128x128xf32>
    %get3A_24 = arith.constant 0 : index
    %get3A_25 = arith.constant 0 : index
    %get3A_26 = vector.load %arg15[%get3A_24, %get3A_25] : memref<128x128xf32, #tpu.memory_space<vmem>>, vector<128x128xf32>
    %get3A_27 = arith.constant 0 : index
    %get3A_28 = arith.constant 0 : index
    %get3A_29 = vector.load %arg16[%get3A_27, %get3A_28] : memref<1x128xf32, #tpu.memory_space<vmem>>, vector<1x128xf32>
    %get3A_30 = arith.constant 0 : index
    %get3A_31 = arith.constant 0 : index
    %get3A_32 = vector.load %arg8[%get3A_30, %get3A_31] : memref<320x1xf32, #tpu.memory_space<vmem>>, vector<320x1xf32>
    %iota3A = tpu.iota {dimensions = array<i32: 0>} : vector<16x320xi32>
    %iota3A_33 = tpu.iota {dimensions = array<i32: 1>} : vector<16x320xi32>
    %jit3A = arith.constant 20 : i32
    %div3A = vector.broadcast %jit3A : i32 to vector<16x320xi32>
    %div3A_34 = arith.divsi %iota3A_33, %div3A : vector<16x320xi32>
    %sign3A = arith.constant 0 : i32
    %sign3A_35 = vector.broadcast %sign3A : i32 to vector<16x320xi32>
    %sign3A_36 = arith.cmpi sgt, %iota3A_33, %sign3A_35 : vector<16x320xi32>
    %sign3A_37 = arith.extui %sign3A_36 : vector<16x320xi1> to vector<16x320xi32>
    %sign3A_38 = arith.constant 0 : i32
    %sign3A_39 = vector.broadcast %sign3A_38 : i32 to vector<16x320xi32>
    %sign3A_40 = arith.cmpi slt, %iota3A_33, %sign3A_39 : vector<16x320xi32>
    %sign3A_41 = arith.extui %sign3A_40 : vector<16x320xi1> to vector<16x320xi32>
    %sign3A_42 = arith.subi %sign3A_37, %sign3A_41 : vector<16x320xi32>
    %sign3A_43 = arith.constant 0 : i32
    %sign3A_44 = arith.cmpi sgt, %jit3A, %sign3A_43 : i32
    %sign3A_45 = arith.extui %sign3A_44 : i1 to i32
    %sign3A_46 = arith.constant 0 : i32
    %sign3A_47 = arith.cmpi slt, %jit3A, %sign3A_46 : i32
    %sign3A_48 = arith.extui %sign3A_47 : i1 to i32
    %sign3A_49 = arith.subi %sign3A_45, %sign3A_48 : i32
    %ne3A = vector.broadcast %sign3A_49 : i32 to vector<16x320xi32>
    %ne3A_50 = arith.cmpi ne, %sign3A_42, %ne3A : vector<16x320xi32>
    %rem3A = vector.broadcast %jit3A : i32 to vector<16x320xi32>
    %rem3A_51 = arith.remsi %iota3A_33, %rem3A : vector<16x320xi32>
    %ne3A_52 = arith.constant 0 : i32
    %ne3A_53 = vector.broadcast %ne3A_52 : i32 to vector<16x320xi32>
    %ne3A_54 = arith.cmpi ne, %rem3A_51, %ne3A_53 : vector<16x320xi32>
    %and3A = arith.andi %ne3A_50, %ne3A_54 : vector<16x320xi1>
    %sub3A = arith.constant 1 : i32
    %sub3A_55 = vector.broadcast %sub3A : i32 to vector<16x320xi32>
    %sub3A_56 = arith.subi %div3A_34, %sub3A_55 : vector<16x320xi32>
    %select_n3A = arith.select %and3A, %sub3A_56, %div3A_34 : vector<16x320xi1>, vector<16x320xi32>
    %eq3A = arith.cmpi eq, %select_n3A, %iota3A : vector<16x320xi32>
    %convert_element_type3A = arith.extui %eq3A : vector<16x320xi1> to vector<16x320xi32>
    %convert_element_type3A_57 = arith.sitofp %convert_element_type3A : vector<16x320xi32> to vector<16x320xf32>
    %iota3A_58 = tpu.iota {dimensions = array<i32: 0>} : vector<320x16xi32>
    %iota3A_59 = tpu.iota {dimensions = array<i32: 1>} : vector<320x16xi32>
    %jit3A_60 = arith.constant 20 : i32
    %div3A_61 = vector.broadcast %jit3A_60 : i32 to vector<320x16xi32>
    %div3A_62 = arith.divsi %iota3A_58, %div3A_61 : vector<320x16xi32>
    %sign3A_63 = arith.constant 0 : i32
    %sign3A_64 = vector.broadcast %sign3A_63 : i32 to vector<320x16xi32>
    %sign3A_65 = arith.cmpi sgt, %iota3A_58, %sign3A_64 : vector<320x16xi32>
    %sign3A_66 = arith.extui %sign3A_65 : vector<320x16xi1> to vector<320x16xi32>
    %sign3A_67 = arith.constant 0 : i32
    %sign3A_68 = vector.broadcast %sign3A_67 : i32 to vector<320x16xi32>
    %sign3A_69 = arith.cmpi slt, %iota3A_58, %sign3A_68 : vector<320x16xi32>
    %sign3A_70 = arith.extui %sign3A_69 : vector<320x16xi1> to vector<320x16xi32>
    %sign3A_71 = arith.subi %sign3A_66, %sign3A_70 : vector<320x16xi32>
    %sign3A_72 = arith.constant 0 : i32
    %sign3A_73 = arith.cmpi sgt, %jit3A_60, %sign3A_72 : i32
    %sign3A_74 = arith.extui %sign3A_73 : i1 to i32
    %sign3A_75 = arith.constant 0 : i32
    %sign3A_76 = arith.cmpi slt, %jit3A_60, %sign3A_75 : i32
    %sign3A_77 = arith.extui %sign3A_76 : i1 to i32
    %sign3A_78 = arith.subi %sign3A_74, %sign3A_77 : i32
    %ne3A_79 = vector.broadcast %sign3A_78 : i32 to vector<320x16xi32>
    %ne3A_80 = arith.cmpi ne, %sign3A_71, %ne3A_79 : vector<320x16xi32>
    %rem3A_81 = vector.broadcast %jit3A_60 : i32 to vector<320x16xi32>
    %rem3A_82 = arith.remsi %iota3A_58, %rem3A_81 : vector<320x16xi32>
    %ne3A_83 = arith.constant 0 : i32
    %ne3A_84 = vector.broadcast %ne3A_83 : i32 to vector<320x16xi32>
    %ne3A_85 = arith.cmpi ne, %rem3A_82, %ne3A_84 : vector<320x16xi32>
    %and3A_86 = arith.andi %ne3A_80, %ne3A_85 : vector<320x16xi1>
    %sub3A_87 = arith.constant 1 : i32
    %sub3A_88 = vector.broadcast %sub3A_87 : i32 to vector<320x16xi32>
    %sub3A_89 = arith.subi %div3A_62, %sub3A_88 : vector<320x16xi32>
    %select_n3A_90 = arith.select %and3A_86, %sub3A_89, %div3A_62 : vector<320x16xi1>, vector<320x16xi32>
    %eq3A_91 = arith.cmpi eq, %select_n3A_90, %iota3A_59 : vector<320x16xi32>
    %convert_element_type3A_92 = arith.extui %eq3A_91 : vector<320x16xi1> to vector<320x16xi32>
    %convert_element_type3A_93 = arith.sitofp %convert_element_type3A_92 : vector<320x16xi32> to vector<320x16xf32>
    %mul3A = vector.broadcast %get3A_32 : vector<320x1xf32> to vector<320x128xf32>
    %mul3A_94 = arith.mulf %get3A_4, %mul3A : vector<320x128xf32>
    %dot_general3A = arith.constant dense<0.000000e+00> : vector<16x128xf32>
    %dot_general3A_95 = tpu.matmul %convert_element_type3A_57, %mul3A_94, %dot_general3A {dimension_numbers = #tpu.dot_dimension_numbers<[1], [0], [0], [1], [0, 0, 1, 1], [], []>, transpose_lhs_hint = false} : vector<16x320xf32>, vector<320x128xf32>, vector<16x128xf32> -> vector<16x128xf32>
    %dot_general3A_96 = arith.constant dense<0.000000e+00> : vector<16x1xf32>
    %dot_general3A_97 = tpu.matmul %convert_element_type3A_57, %get3A_32, %dot_general3A_96 {dimension_numbers = #tpu.dot_dimension_numbers<[1], [0], [0], [1], [0, 0, 1, 1], [], []>, transpose_lhs_hint = false} : vector<16x320xf32>, vector<320x1xf32>, vector<16x1xf32> -> vector<16x1xf32>
    %div3A_98 = vector.broadcast %dot_general3A_97 : vector<16x1xf32> to vector<16x128xf32>
    %div3A_99 = arith.divf %dot_general3A_95, %div3A_98 : vector<16x128xf32>
    %dot_general3A_100 = arith.constant dense<0.000000e+00> : vector<320x128xf32>
    %dot_general3A_101 = tpu.matmul %convert_element_type3A_93, %div3A_99, %dot_general3A_100 {dimension_numbers = #tpu.dot_dimension_numbers<[1], [0], [0], [1], [0, 0, 1, 1], [], []>, transpose_lhs_hint = false} : vector<320x16xf32>, vector<16x128xf32>, vector<320x128xf32> -> vector<320x128xf32>
    %reshape3A = vector.shape_cast %get3A_1 : vector<320x128xf32> to vector<16x20x128xf32>
    %get3A_102 = arith.constant 0 : index
    %get3A_103 = arith.constant 0 : index
    %get3A_104 = arith.constant 0 : index
    %get3A_105 = vector.load %arg5[%get3A_102, %get3A_103, %get3A_104] : memref<16x20x20xi32, #tpu.memory_space<vmem>>, vector<16x20x20xi32>
    %slice3A = vector.extract_strided_slice %get3A_7 {offsets = [0, 0], sizes = [1, 128], strides = [1, 1]} : vector<4x128xf32> to vector<1x128xf32>
    %broadcast_in_dim3A = vector.shape_cast %slice3A : vector<1x128xf32> to vector<1x1x128xf32>
    %mul3A_106 = vector.broadcast %broadcast_in_dim3A : vector<1x1x128xf32> to vector<16x20x128xf32>
    %mul3A_107 = arith.mulf %reshape3A, %mul3A_106 : vector<16x20x128xf32>
    %dot_general3A_108 = arith.constant dense<0.000000e+00> : vector<16x20x20xf32>
    %dot_general3A_109 = tpu.matmul %mul3A_107, %reshape3A, %dot_general3A_108 {dimension_numbers = #tpu.dot_dimension_numbers<[2], [2], [1], [1], [0, 0, 0, 1, 1, 1], [0], [0]>, transpose_lhs_hint = false} : vector<16x20x128xf32>, vector<16x20x128xf32>, vector<16x20x20xf32> -> vector<16x20x20xf32>
    %ge3A = arith.constant 0.000000e+00 : f32
    %ge3A_110 = vector.broadcast %ge3A : f32 to vector<16x20x20xf32>
    %ge3A_111 = arith.cmpf oge, %dot_general3A_109, %ge3A_110 : vector<16x20x20xf32>
    %mul3A_112 = arith.constant 2.000000e-01 : f32
    %mul3A_113 = vector.broadcast %mul3A_112 : f32 to vector<16x20x20xf32>
    %mul3A_114 = arith.mulf %mul3A_113, %dot_general3A_109 : vector<16x20x20xf32>
    %select_n3A_115 = arith.select %ge3A_111, %dot_general3A_109, %mul3A_114 : vector<16x20x20xi1>, vector<16x20x20xf32>
    %slice3A_116 = vector.extract_strided_slice %get3A_7 {offsets = [1, 0], sizes = [1, 128], strides = [1, 1]} : vector<4x128xf32> to vector<1x128xf32>
    %broadcast_in_dim3A_117 = vector.shape_cast %slice3A_116 : vector<1x128xf32> to vector<1x1x128xf32>
    %mul3A_118 = vector.broadcast %broadcast_in_dim3A_117 : vector<1x1x128xf32> to vector<16x20x128xf32>
    %mul3A_119 = arith.mulf %reshape3A, %mul3A_118 : vector<16x20x128xf32>
    %dot_general3A_120 = arith.constant dense<0.000000e+00> : vector<16x20x20xf32>
    %dot_general3A_121 = tpu.matmul %mul3A_119, %reshape3A, %dot_general3A_120 {dimension_numbers = #tpu.dot_dimension_numbers<[2], [2], [1], [1], [0, 0, 0, 1, 1, 1], [0], [0]>, transpose_lhs_hint = false} : vector<16x20x128xf32>, vector<16x20x128xf32>, vector<16x20x20xf32> -> vector<16x20x20xf32>
    %ge3A_122 = arith.constant 0.000000e+00 : f32
    %ge3A_123 = vector.broadcast %ge3A_122 : f32 to vector<16x20x20xf32>
    %ge3A_124 = arith.cmpf oge, %dot_general3A_121, %ge3A_123 : vector<16x20x20xf32>
    %mul3A_125 = arith.constant 2.000000e-01 : f32
    %mul3A_126 = vector.broadcast %mul3A_125 : f32 to vector<16x20x20xf32>
    %mul3A_127 = arith.mulf %mul3A_126, %dot_general3A_121 : vector<16x20x20xf32>
    %select_n3A_128 = arith.select %ge3A_124, %dot_general3A_121, %mul3A_127 : vector<16x20x20xi1>, vector<16x20x20xf32>
    %slice3A_129 = vector.extract_strided_slice %get3A_7 {offsets = [2, 0], sizes = [1, 128], strides = [1, 1]} : vector<4x128xf32> to vector<1x128xf32>
    %broadcast_in_dim3A_130 = vector.shape_cast %slice3A_129 : vector<1x128xf32> to vector<1x1x128xf32>
    %mul3A_131 = vector.broadcast %broadcast_in_dim3A_130 : vector<1x1x128xf32> to vector<16x20x128xf32>
    %mul3A_132 = arith.mulf %reshape3A, %mul3A_131 : vector<16x20x128xf32>
    %dot_general3A_133 = arith.constant dense<0.000000e+00> : vector<16x20x20xf32>
    %dot_general3A_134 = tpu.matmul %mul3A_132, %reshape3A, %dot_general3A_133 {dimension_numbers = #tpu.dot_dimension_numbers<[2], [2], [1], [1], [0, 0, 0, 1, 1, 1], [0], [0]>, transpose_lhs_hint = false} : vector<16x20x128xf32>, vector<16x20x128xf32>, vector<16x20x20xf32> -> vector<16x20x20xf32>
    %ge3A_135 = arith.constant 0.000000e+00 : f32
    %ge3A_136 = vector.broadcast %ge3A_135 : f32 to vector<16x20x20xf32>
    %ge3A_137 = arith.cmpf oge, %dot_general3A_134, %ge3A_136 : vector<16x20x20xf32>
    %mul3A_138 = arith.constant 2.000000e-01 : f32
    %mul3A_139 = vector.broadcast %mul3A_138 : f32 to vector<16x20x20xf32>
    %mul3A_140 = arith.mulf %mul3A_139, %dot_general3A_134 : vector<16x20x20xf32>
    %select_n3A_141 = arith.select %ge3A_137, %dot_general3A_134, %mul3A_140 : vector<16x20x20xi1>, vector<16x20x20xf32>
    %slice3A_142 = vector.extract_strided_slice %get3A_7 {offsets = [3, 0], sizes = [1, 128], strides = [1, 1]} : vector<4x128xf32> to vector<1x128xf32>
    %broadcast_in_dim3A_143 = vector.shape_cast %slice3A_142 : vector<1x128xf32> to vector<1x1x128xf32>
    %mul3A_144 = vector.broadcast %broadcast_in_dim3A_143 : vector<1x1x128xf32> to vector<16x20x128xf32>
    %mul3A_145 = arith.mulf %reshape3A, %mul3A_144 : vector<16x20x128xf32>
    %dot_general3A_146 = arith.constant dense<0.000000e+00> : vector<16x20x20xf32>
    %dot_general3A_147 = tpu.matmul %mul3A_145, %reshape3A, %dot_general3A_146 {dimension_numbers = #tpu.dot_dimension_numbers<[2], [2], [1], [1], [0, 0, 0, 1, 1, 1], [0], [0]>, transpose_lhs_hint = false} : vector<16x20x128xf32>, vector<16x20x128xf32>, vector<16x20x20xf32> -> vector<16x20x20xf32>
    %ge3A_148 = arith.constant 0.000000e+00 : f32
    %ge3A_149 = vector.broadcast %ge3A_148 : f32 to vector<16x20x20xf32>
    %ge3A_150 = arith.cmpf oge, %dot_general3A_147, %ge3A_149 : vector<16x20x20xf32>
    %mul3A_151 = arith.constant 2.000000e-01 : f32
    %mul3A_152 = vector.broadcast %mul3A_151 : f32 to vector<16x20x20xf32>
    %mul3A_153 = arith.mulf %mul3A_152, %dot_general3A_147 : vector<16x20x20xf32>
    %select_n3A_154 = arith.select %ge3A_150, %dot_general3A_147, %mul3A_153 : vector<16x20x20xi1>, vector<16x20x20xf32>
    %broadcast_in_dim3A_155 = arith.constant -9.000000e+15 : f32
    %broadcast_in_dim3A_156 = vector.broadcast %broadcast_in_dim3A_155 : f32 to vector<16x20x20xf32>
    %eq3A_157 = arith.constant 1 : i32
    %eq3A_158 = vector.broadcast %eq3A_157 : i32 to vector<16x20x20xi32>
    %eq3A_159 = arith.cmpi eq, %get3A_105, %eq3A_158 : vector<16x20x20xi32>
    %select_n3A_160 = arith.select %eq3A_159, %select_n3A_115, %broadcast_in_dim3A_156 : vector<16x20x20xi1>, vector<16x20x20xf32>
    %eq3A_161 = arith.constant 2 : i32
    %eq3A_162 = vector.broadcast %eq3A_161 : i32 to vector<16x20x20xi32>
    %eq3A_163 = arith.cmpi eq, %get3A_105, %eq3A_162 : vector<16x20x20xi32>
    %select_n3A_164 = arith.select %eq3A_163, %select_n3A_128, %select_n3A_160 : vector<16x20x20xi1>, vector<16x20x20xf32>
    %eq3A_165 = arith.constant 3 : i32
    %eq3A_166 = vector.broadcast %eq3A_165 : i32 to vector<16x20x20xi32>
    %eq3A_167 = arith.cmpi eq, %get3A_105, %eq3A_166 : vector<16x20x20xi32>
    %select_n3A_168 = arith.select %eq3A_167, %select_n3A_141, %select_n3A_164 : vector<16x20x20xi1>, vector<16x20x20xf32>
    %eq3A_169 = arith.constant 4 : i32
    %eq3A_170 = vector.broadcast %eq3A_169 : i32 to vector<16x20x20xi32>
    %eq3A_171 = arith.cmpi eq, %get3A_105, %eq3A_170 : vector<16x20x20xi32>
    %select_n3A_172 = arith.select %eq3A_171, %select_n3A_154, %select_n3A_168 : vector<16x20x20xi1>, vector<16x20x20xf32>
    %get3A_173 = arith.constant 0 : index
    %get3A_174 = arith.constant 0 : index
    %get3A_175 = arith.constant 0 : index
    %get3A_176 = vector.load %arg6[%get3A_173, %get3A_174, %get3A_175] : memref<16x20x1xf32, #tpu.memory_space<vmem>>, vector<16x20x1xf32>
    %get3A_177 = arith.constant 0 : index
    %get3A_178 = arith.constant 0 : index
    %get3A_179 = arith.constant 0 : index
    %get3A_180 = vector.load %arg7[%get3A_177, %get3A_178, %get3A_179] : memref<16x1x20xf32, #tpu.memory_space<vmem>>, vector<16x1x20xf32>
    %sub3A_181 = vector.broadcast %get3A_176 : vector<16x20x1xf32> to vector<16x20x20xf32>
    %sub3A_182 = vector.broadcast %get3A_180 : vector<16x1x20xf32> to vector<16x20x20xf32>
    %sub3A_183 = arith.subf %sub3A_181, %sub3A_182 : vector<16x20x20xf32>
    %abs3A = math.absf %sub3A_183 : vector<16x20x20xf32>
    %mul3A_184 = vector.broadcast %get3A_11 : f32 to vector<16x20x20xf32>
    %mul3A_185 = arith.mulf %mul3A_184, %abs3A : vector<16x20x20xf32>
    %sub3A_186 = arith.subf %select_n3A_172, %mul3A_185 : vector<16x20x20xf32>
    %reduce_max3A = arith.constant dense<0xFF800000> : vector<16x20xf32>
    %reduce_max3A_187 = vector.multi_reduction <maximumf>, %sub3A_186, %reduce_max3A [2] : vector<16x20x20xf32> to vector<16x20xf32>
    %broadcast_in_dim3A_188 = vector.shape_cast %reduce_max3A_187 : vector<16x20xf32> to vector<16x20x1xf32>
    %sub3A_189 = vector.broadcast %broadcast_in_dim3A_188 : vector<16x20x1xf32> to vector<16x20x20xf32>
    %sub3A_190 = arith.subf %sub3A_186, %sub3A_189 : vector<16x20x20xf32>
    %exp3A = math.exp %sub3A_190 : vector<16x20x20xf32>
    %reduce_sum3A = arith.constant dense<0.000000e+00> : vector<16x20xf32>
    %reduce_sum3A_191 = vector.multi_reduction <add>, %exp3A, %reduce_sum3A [2] : vector<16x20x20xf32> to vector<16x20xf32>
    %broadcast_in_dim3A_192 = vector.shape_cast %reduce_sum3A_191 : vector<16x20xf32> to vector<16x20x1xf32>
    %div3A_193 = vector.broadcast %broadcast_in_dim3A_192 : vector<16x20x1xf32> to vector<16x20x20xf32>
    %div3A_194 = arith.divf %exp3A, %div3A_193 : vector<16x20x20xf32>
    %dot_general3A_195 = arith.constant dense<0.000000e+00> : vector<16x20x128xf32>
    %dot_general3A_196 = tpu.matmul %div3A_194, %reshape3A, %dot_general3A_195 {dimension_numbers = #tpu.dot_dimension_numbers<[2], [1], [1], [2], [0, 0, 0, 1, 1, 2], [0], [0]>, transpose_lhs_hint = false} : vector<16x20x20xf32>, vector<16x20x128xf32>, vector<16x20x128xf32> -> vector<16x20x128xf32>
    %swap3A = arith.constant 0 : index
    %swap3A_197 = arith.constant 0 : index
    %swap3A_198 = arith.constant 0 : index
    %swap3A_199 = vector.load %arg17[%swap3A, %swap3A_197, %swap3A_198] : memref<16x20x128xf32, #tpu.memory_space<vmem>>, vector<16x20x128xf32>
    tpu.vector_store %arg17[%swap3A, %swap3A_197, %swap3A_198], %dot_general3A_196 {strides = array<i32>} : memref<16x20x128xf32, #tpu.memory_space<vmem>>, vector<16x20x128xf32>,
    %get3A_200 = arith.constant 0 : index
    %get3A_201 = arith.constant 0 : index
    %get3A_202 = arith.constant 0 : index
    %get3A_203 = vector.load %arg3[%get3A_200, %get3A_201, %get3A_202] : memref<12x320x128xf32, #tpu.memory_space<vmem>>, vector<1x320x128xf32>
    %get3A_204 = vector.shape_cast %get3A_203 : vector<1x320x128xf32> to vector<320x128xf32>
    %get3A_205 = arith.constant 1 : index
    %get3A_206 = arith.constant 0 : index
    %get3A_207 = arith.constant 0 : index
    %get3A_208 = vector.load %arg3[%get3A_205, %get3A_206, %get3A_207] : memref<12x320x128xf32, #tpu.memory_space<vmem>>, vector<1x320x128xf32>
    %get3A_209 = vector.shape_cast %get3A_208 : vector<1x320x128xf32> to vector<320x128xf32>
    %get3A_210 = arith.constant 2 : index
    %get3A_211 = arith.constant 0 : index
    %get3A_212 = arith.constant 0 : index
    %get3A_213 = vector.load %arg3[%get3A_210, %get3A_211, %get3A_212] : memref<12x320x128xf32, #tpu.memory_space<vmem>>, vector<1x320x128xf32>
    %get3A_214 = vector.shape_cast %get3A_213 : vector<1x320x128xf32> to vector<320x128xf32>
    %get3A_215 = arith.constant 3 : index
    %get3A_216 = arith.constant 0 : index
    %get3A_217 = arith.constant 0 : index
    %get3A_218 = vector.load %arg3[%get3A_215, %get3A_216, %get3A_217] : memref<12x320x128xf32, #tpu.memory_space<vmem>>, vector<1x320x128xf32>
    %get3A_219 = vector.shape_cast %get3A_218 : vector<1x320x128xf32> to vector<320x128xf32>
    %get3A_220 = arith.constant 4 : index
    %get3A_221 = arith.constant 0 : index
    %get3A_222 = arith.constant 0 : index
    %get3A_223 = vector.load %arg3[%get3A_220, %get3A_221, %get3A_222] : memref<12x320x128xf32, #tpu.memory_space<vmem>>, vector<1x320x128xf32>
    %get3A_224 = vector.shape_cast %get3A_223 : vector<1x320x128xf32> to vector<320x128xf32>
    %get3A_225 = arith.constant 5 : index
    %get3A_226 = arith.constant 0 : index
    %get3A_227 = arith.constant 0 : index
    %get3A_228 = vector.load %arg3[%get3A_225, %get3A_226, %get3A_227] : memref<12x320x128xf32, #tpu.memory_space<vmem>>, vector<1x320x128xf32>
    %get3A_229 = vector.shape_cast %get3A_228 : vector<1x320x128xf32> to vector<320x128xf32>
    %get3A_230 = arith.constant 6 : index
    %get3A_231 = arith.constant 0 : index
    %get3A_232 = arith.constant 0 : index
    %get3A_233 = vector.load %arg3[%get3A_230, %get3A_231, %get3A_232] : memref<12x320x128xf32, #tpu.memory_space<vmem>>, vector<1x320x128xf32>
    %get3A_234 = vector.shape_cast %get3A_233 : vector<1x320x128xf32> to vector<320x128xf32>
    %get3A_235 = arith.constant 7 : index
    %get3A_236 = arith.constant 0 : index
    %get3A_237 = arith.constant 0 : index
    %get3A_238 = vector.load %arg3[%get3A_235, %get3A_236, %get3A_237] : memref<12x320x128xf32, #tpu.memory_space<vmem>>, vector<1x320x128xf32>
    %get3A_239 = vector.shape_cast %get3A_238 : vector<1x320x128xf32> to vector<320x128xf32>
    %get3A_240 = arith.constant 8 : index
    %get3A_241 = arith.constant 0 : index
    %get3A_242 = arith.constant 0 : index
    %get3A_243 = vector.load %arg3[%get3A_240, %get3A_241, %get3A_242] : memref<12x320x128xf32, #tpu.memory_space<vmem>>, vector<1x320x128xf32>
    %get3A_244 = vector.shape_cast %get3A_243 : vector<1x320x128xf32> to vector<320x128xf32>
    %get3A_245 = arith.constant 9 : index
    %get3A_246 = arith.constant 0 : index
    %get3A_247 = arith.constant 0 : index
    %get3A_248 = vector.load %arg3[%get3A_245, %get3A_246, %get3A_247] : memref<12x320x128xf32, #tpu.memory_space<vmem>>, vector<1x320x128xf32>
    %get3A_249 = vector.shape_cast %get3A_248 : vector<1x320x128xf32> to vector<320x128xf32>
    %get3A_250 = arith.constant 10 : index
    %get3A_251 = arith.constant 0 : index
    %get3A_252 = arith.constant 0 : index
    %get3A_253 = vector.load %arg3[%get3A_250, %get3A_251, %get3A_252] : memref<12x320x128xf32, #tpu.memory_space<vmem>>, vector<1x320x128xf32>
    %get3A_254 = vector.shape_cast %get3A_253 : vector<1x320x128xf32> to vector<320x128xf32>
    %get3A_255 = arith.constant 11 : index
    %get3A_256 = arith.constant 0 : index
    %get3A_257 = arith.constant 0 : index
    %get3A_258 = vector.load %arg3[%get3A_255, %get3A_256, %get3A_257] : memref<12x320x128xf32, #tpu.memory_space<vmem>>, vector<1x320x128xf32>
    %get3A_259 = vector.shape_cast %get3A_258 : vector<1x320x128xf32> to vector<320x128xf32>
    %concatenate3A = tpu.concatenate %get3A_204, %get3A_209, %get3A_214, %get3A_219, %get3A_224, %get3A_229, %get3A_234, %get3A_239, %get3A_244, %get3A_249, %get3A_254, %get3A_259 in 0 : vector<320x128xf32>, vector<320x128xf32>, vector<320x128xf32>, vector<320x128xf32>, vector<320x128xf32>, vector<320x128xf32>, vector<320x128xf32>, vector<320x128xf32>, vector<320x128xf32>, vector<320x128xf32>, vector<320x128xf32>, vector<320x128xf32> -> vector<3840x128xf32>
    %get3A_260 = arith.constant 0 : index
    %get3A_261 = arith.constant 0 : index
    %get3A_262 = arith.constant 0 : index
    %get3A_263 = vector.load %arg4[%get3A_260, %get3A_261, %get3A_262] : memref<12x320x1xf32, #tpu.memory_space<vmem>>, vector<1x320x1xf32>
    %get3A_264 = vector.shape_cast %get3A_263 : vector<1x320x1xf32> to vector<320x1xf32>
    %get3A_265 = arith.constant 1 : index
    %get3A_266 = arith.constant 0 : index
    %get3A_267 = arith.constant 0 : index
    %get3A_268 = vector.load %arg4[%get3A_265, %get3A_266, %get3A_267] : memref<12x320x1xf32, #tpu.memory_space<vmem>>, vector<1x320x1xf32>
    %get3A_269 = vector.shape_cast %get3A_268 : vector<1x320x1xf32> to vector<320x1xf32>
    %get3A_270 = arith.constant 2 : index
    %get3A_271 = arith.constant 0 : index
    %get3A_272 = arith.constant 0 : index
    %get3A_273 = vector.load %arg4[%get3A_270, %get3A_271, %get3A_272] : memref<12x320x1xf32, #tpu.memory_space<vmem>>, vector<1x320x1xf32>
    %get3A_274 = vector.shape_cast %get3A_273 : vector<1x320x1xf32> to vector<320x1xf32>
    %get3A_275 = arith.constant 3 : index
    %get3A_276 = arith.constant 0 : index
    %get3A_277 = arith.constant 0 : index
    %get3A_278 = vector.load %arg4[%get3A_275, %get3A_276, %get3A_277] : memref<12x320x1xf32, #tpu.memory_space<vmem>>, vector<1x320x1xf32>
    %get3A_279 = vector.shape_cast %get3A_278 : vector<1x320x1xf32> to vector<320x1xf32>
    %get3A_280 = arith.constant 4 : index
    %get3A_281 = arith.constant 0 : index
    %get3A_282 = arith.constant 0 : index
    %get3A_283 = vector.load %arg4[%get3A_280, %get3A_281, %get3A_282] : memref<12x320x1xf32, #tpu.memory_space<vmem>>, vector<1x320x1xf32>
    %get3A_284 = vector.shape_cast %get3A_283 : vector<1x320x1xf32> to vector<320x1xf32>
    %get3A_285 = arith.constant 5 : index
    %get3A_286 = arith.constant 0 : index
    %get3A_287 = arith.constant 0 : index
    %get3A_288 = vector.load %arg4[%get3A_285, %get3A_286, %get3A_287] : memref<12x320x1xf32, #tpu.memory_space<vmem>>, vector<1x320x1xf32>
    %get3A_289 = vector.shape_cast %get3A_288 : vector<1x320x1xf32> to vector<320x1xf32>
    %get3A_290 = arith.constant 6 : index
    %get3A_291 = arith.constant 0 : index
    %get3A_292 = arith.constant 0 : index
    %get3A_293 = vector.load %arg4[%get3A_290, %get3A_291, %get3A_292] : memref<12x320x1xf32, #tpu.memory_space<vmem>>, vector<1x320x1xf32>
    %get3A_294 = vector.shape_cast %get3A_293 : vector<1x320x1xf32> to vector<320x1xf32>
    %get3A_295 = arith.constant 7 : index
    %get3A_296 = arith.constant 0 : index
    %get3A_297 = arith.constant 0 : index
    %get3A_298 = vector.load %arg4[%get3A_295, %get3A_296, %get3A_297] : memref<12x320x1xf32, #tpu.memory_space<vmem>>, vector<1x320x1xf32>
    %get3A_299 = vector.shape_cast %get3A_298 : vector<1x320x1xf32> to vector<320x1xf32>
    %get3A_300 = arith.constant 8 : index
    %get3A_301 = arith.constant 0 : index
    %get3A_302 = arith.constant 0 : index
    %get3A_303 = vector.load %arg4[%get3A_300, %get3A_301, %get3A_302] : memref<12x320x1xf32, #tpu.memory_space<vmem>>, vector<1x320x1xf32>
    %get3A_304 = vector.shape_cast %get3A_303 : vector<1x320x1xf32> to vector<320x1xf32>
    %get3A_305 = arith.constant 9 : index
    %get3A_306 = arith.constant 0 : index
    %get3A_307 = arith.constant 0 : index
    %get3A_308 = vector.load %arg4[%get3A_305, %get3A_306, %get3A_307] : memref<12x320x1xf32, #tpu.memory_space<vmem>>, vector<1x320x1xf32>
    %get3A_309 = vector.shape_cast %get3A_308 : vector<1x320x1xf32> to vector<320x1xf32>
    %get3A_310 = arith.constant 10 : index
    %get3A_311 = arith.constant 0 : index
    %get3A_312 = arith.constant 0 : index
    %get3A_313 = vector.load %arg4[%get3A_310, %get3A_311, %get3A_312] : memref<12x320x1xf32, #tpu.memory_space<vmem>>, vector<1x320x1xf32>
    %get3A_314 = vector.shape_cast %get3A_313 : vector<1x320x1xf32> to vector<320x1xf32>
    %get3A_315 = arith.constant 11 : index
    %get3A_316 = arith.constant 0 : index
    %get3A_317 = arith.constant 0 : index
    %get3A_318 = vector.load %arg4[%get3A_315, %get3A_316, %get3A_317] : memref<12x320x1xf32, #tpu.memory_space<vmem>>, vector<1x320x1xf32>
    %get3A_319 = vector.shape_cast %get3A_318 : vector<1x320x1xf32> to vector<320x1xf32>
    %concatenate3A_320 = tpu.concatenate %get3A_264, %get3A_269, %get3A_274, %get3A_279, %get3A_284, %get3A_289, %get3A_294, %get3A_299, %get3A_304, %get3A_309, %get3A_314, %get3A_319 in 0 : vector<320x1xf32>, vector<320x1xf32>, vector<320x1xf32>, vector<320x1xf32>, vector<320x1xf32>, vector<320x1xf32>, vector<320x1xf32>, vector<320x1xf32>, vector<320x1xf32>, vector<320x1xf32>, vector<320x1xf32>, vector<320x1xf32> -> vector<3840x1xf32>
    %concatenate3A_321 = tpu.concatenate %dot_general3A_101, %dot_general3A_101, %dot_general3A_101, %dot_general3A_101, %dot_general3A_101, %dot_general3A_101, %dot_general3A_101, %dot_general3A_101, %dot_general3A_101, %dot_general3A_101, %dot_general3A_101, %dot_general3A_101 in 0 : vector<320x128xf32>, vector<320x128xf32>, vector<320x128xf32>, vector<320x128xf32>, vector<320x128xf32>, vector<320x128xf32>, vector<320x128xf32>, vector<320x128xf32>, vector<320x128xf32>, vector<320x128xf32>, vector<320x128xf32>, vector<320x128xf32> -> vector<3840x128xf32>
    %mul3A_322 = arith.mulf %concatenate3A, %concatenate3A_321 : vector<3840x128xf32>
    %dot_general3A_323 = arith.constant dense<0.000000e+00> : vector<3840x128xf32>
    %dot_general3A_324 = tpu.matmul %mul3A_322, %get3A_14, %dot_general3A_323 {dimension_numbers = #tpu.dot_dimension_numbers<[1], [0], [0], [1], [0, 0, 1, 1], [], []>, transpose_lhs_hint = false} : vector<3840x128xf32>, vector<128x128xf32>, vector<3840x128xf32> -> vector<3840x128xf32>
    %mul3A_325 = vector.broadcast %concatenate3A_320 : vector<3840x1xf32> to vector<3840x128xf32>
    %mul3A_326 = vector.broadcast %get3A_17 : vector<1x128xf32> to vector<3840x128xf32>
    %mul3A_327 = arith.mulf %mul3A_325, %mul3A_326 : vector<3840x128xf32>
    %add3A = arith.addf %dot_general3A_324, %mul3A_327 : vector<3840x128xf32>
    %ge3A_328 = arith.constant 0.000000e+00 : f32
    %ge3A_329 = vector.broadcast %ge3A_328 : f32 to vector<3840x128xf32>
    %ge3A_330 = arith.cmpf oge, %add3A, %ge3A_329 : vector<3840x128xf32>
    %mul3A_331 = arith.constant 2.000000e-01 : f32
    %mul3A_332 = vector.broadcast %mul3A_331 : f32 to vector<3840x128xf32>
    %mul3A_333 = arith.mulf %mul3A_332, %add3A : vector<3840x128xf32>
    %select_n3A_334 = arith.select %ge3A_330, %add3A, %mul3A_333 : vector<3840x128xi1>, vector<3840x128xf32>
    %dot_general3A_335 = arith.constant dense<0.000000e+00> : vector<3840x1xf32>
    %dot_general3A_336 = tpu.matmul %select_n3A_334, %get3A_20, %dot_general3A_335 {dimension_numbers = #tpu.dot_dimension_numbers<[1], [0], [0], [1], [0, 0, 1, 1], [], []>, transpose_lhs_hint = false} : vector<3840x128xf32>, vector<128x1xf32>, vector<3840x1xf32> -> vector<3840x1xf32>
    %exp3A_337 = math.exp %dot_general3A_336 : vector<3840x1xf32>
    %broadcast_in_dim3A_338 = arith.constant 0.000000e+00 : f32
    %broadcast_in_dim3A_339 = vector.broadcast %broadcast_in_dim3A_338 : f32 to vector<320x1xf32>
    %slice3A_340 = vector.extract_strided_slice %exp3A_337 {offsets = [0, 0], sizes = [320, 1], strides = [1, 1]} : vector<3840x1xf32> to vector<320x1xf32>
    %add3A_341 = arith.addf %broadcast_in_dim3A_339, %slice3A_340 : vector<320x1xf32>
    %slice3A_342 = vector.extract_strided_slice %exp3A_337 {offsets = [320, 0], sizes = [320, 1], strides = [1, 1]} : vector<3840x1xf32> to vector<320x1xf32>
    %add3A_343 = arith.addf %add3A_341, %slice3A_342 : vector<320x1xf32>
    %slice3A_344 = vector.extract_strided_slice %exp3A_337 {offsets = [640, 0], sizes = [320, 1], strides = [1, 1]} : vector<3840x1xf32> to vector<320x1xf32>
    %add3A_345 = arith.addf %add3A_343, %slice3A_344 : vector<320x1xf32>
    %slice3A_346 = vector.extract_strided_slice %exp3A_337 {offsets = [960, 0], sizes = [320, 1], strides = [1, 1]} : vector<3840x1xf32> to vector<320x1xf32>
    %add3A_347 = arith.addf %add3A_345, %slice3A_346 : vector<320x1xf32>
    %slice3A_348 = vector.extract_strided_slice %exp3A_337 {offsets = [1280, 0], sizes = [320, 1], strides = [1, 1]} : vector<3840x1xf32> to vector<320x1xf32>
    %add3A_349 = arith.addf %add3A_347, %slice3A_348 : vector<320x1xf32>
    %slice3A_350 = vector.extract_strided_slice %exp3A_337 {offsets = [1600, 0], sizes = [320, 1], strides = [1, 1]} : vector<3840x1xf32> to vector<320x1xf32>
    %add3A_351 = arith.addf %add3A_349, %slice3A_350 : vector<320x1xf32>
    %slice3A_352 = vector.extract_strided_slice %exp3A_337 {offsets = [1920, 0], sizes = [320, 1], strides = [1, 1]} : vector<3840x1xf32> to vector<320x1xf32>
    %add3A_353 = arith.addf %add3A_351, %slice3A_352 : vector<320x1xf32>
    %slice3A_354 = vector.extract_strided_slice %exp3A_337 {offsets = [2240, 0], sizes = [320, 1], strides = [1, 1]} : vector<3840x1xf32> to vector<320x1xf32>
    %add3A_355 = arith.addf %add3A_353, %slice3A_354 : vector<320x1xf32>
    %slice3A_356 = vector.extract_strided_slice %exp3A_337 {offsets = [2560, 0], sizes = [320, 1], strides = [1, 1]} : vector<3840x1xf32> to vector<320x1xf32>
    %add3A_357 = arith.addf %add3A_355, %slice3A_356 : vector<320x1xf32>
    %slice3A_358 = vector.extract_strided_slice %exp3A_337 {offsets = [2880, 0], sizes = [320, 1], strides = [1, 1]} : vector<3840x1xf32> to vector<320x1xf32>
    %add3A_359 = arith.addf %add3A_357, %slice3A_358 : vector<320x1xf32>
    %slice3A_360 = vector.extract_strided_slice %exp3A_337 {offsets = [3200, 0], sizes = [320, 1], strides = [1, 1]} : vector<3840x1xf32> to vector<320x1xf32>
    %add3A_361 = arith.addf %add3A_359, %slice3A_360 : vector<320x1xf32>
    %slice3A_362 = vector.extract_strided_slice %exp3A_337 {offsets = [3520, 0], sizes = [320, 1], strides = [1, 1]} : vector<3840x1xf32> to vector<320x1xf32>
    %add3A_363 = arith.addf %add3A_361, %slice3A_362 : vector<320x1xf32>
    %mul3A_364 = vector.broadcast %exp3A_337 : vector<3840x1xf32> to vector<3840x128xf32>
    %mul3A_365 = arith.mulf %mul3A_364, %concatenate3A : vector<3840x128xf32>
    %broadcast_in_dim3A_366 = arith.constant 0.000000e+00 : f32
    %broadcast_in_dim3A_367 = vector.broadcast %broadcast_in_dim3A_366 : f32 to vector<320x128xf32>
    %slice3A_368 = vector.extract_strided_slice %mul3A_365 {offsets = [0, 0], sizes = [320, 128], strides = [1, 1]} : vector<3840x128xf32> to vector<320x128xf32>
    %add3A_369 = arith.addf %broadcast_in_dim3A_367, %slice3A_368 : vector<320x128xf32>
    %slice3A_370 = vector.extract_strided_slice %mul3A_365 {offsets = [320, 0], sizes = [320, 128], strides = [1, 1]} : vector<3840x128xf32> to vector<320x128xf32>
    %add3A_371 = arith.addf %add3A_369, %slice3A_370 : vector<320x128xf32>
    %slice3A_372 = vector.extract_strided_slice %mul3A_365 {offsets = [640, 0], sizes = [320, 128], strides = [1, 1]} : vector<3840x128xf32> to vector<320x128xf32>
    %add3A_373 = arith.addf %add3A_371, %slice3A_372 : vector<320x128xf32>
    %slice3A_374 = vector.extract_strided_slice %mul3A_365 {offsets = [960, 0], sizes = [320, 128], strides = [1, 1]} : vector<3840x128xf32> to vector<320x128xf32>
    %add3A_375 = arith.addf %add3A_373, %slice3A_374 : vector<320x128xf32>
    %slice3A_376 = vector.extract_strided_slice %mul3A_365 {offsets = [1280, 0], sizes = [320, 128], strides = [1, 1]} : vector<3840x128xf32> to vector<320x128xf32>
    %add3A_377 = arith.addf %add3A_375, %slice3A_376 : vector<320x128xf32>
    %slice3A_378 = vector.extract_strided_slice %mul3A_365 {offsets = [1600, 0], sizes = [320, 128], strides = [1, 1]} : vector<3840x128xf32> to vector<320x128xf32>
    %add3A_379 = arith.addf %add3A_377, %slice3A_378 : vector<320x128xf32>
    %slice3A_380 = vector.extract_strided_slice %mul3A_365 {offsets = [1920, 0], sizes = [320, 128], strides = [1, 1]} : vector<3840x128xf32> to vector<320x128xf32>
    %add3A_381 = arith.addf %add3A_379, %slice3A_380 : vector<320x128xf32>
    %slice3A_382 = vector.extract_strided_slice %mul3A_365 {offsets = [2240, 0], sizes = [320, 128], strides = [1, 1]} : vector<3840x128xf32> to vector<320x128xf32>
    %add3A_383 = arith.addf %add3A_381, %slice3A_382 : vector<320x128xf32>
    %slice3A_384 = vector.extract_strided_slice %mul3A_365 {offsets = [2560, 0], sizes = [320, 128], strides = [1, 1]} : vector<3840x128xf32> to vector<320x128xf32>
    %add3A_385 = arith.addf %add3A_383, %slice3A_384 : vector<320x128xf32>
    %slice3A_386 = vector.extract_strided_slice %mul3A_365 {offsets = [2880, 0], sizes = [320, 128], strides = [1, 1]} : vector<3840x128xf32> to vector<320x128xf32>
    %add3A_387 = arith.addf %add3A_385, %slice3A_386 : vector<320x128xf32>
    %slice3A_388 = vector.extract_strided_slice %mul3A_365 {offsets = [3200, 0], sizes = [320, 128], strides = [1, 1]} : vector<3840x128xf32> to vector<320x128xf32>
    %add3A_389 = arith.addf %add3A_387, %slice3A_388 : vector<320x128xf32>
    %slice3A_390 = vector.extract_strided_slice %mul3A_365 {offsets = [3520, 0], sizes = [320, 128], strides = [1, 1]} : vector<3840x128xf32> to vector<320x128xf32>
    %add3A_391 = arith.addf %add3A_389, %slice3A_390 : vector<320x128xf32>
    %div3A_392 = vector.broadcast %add3A_363 : vector<320x1xf32> to vector<320x128xf32>
    %div3A_393 = arith.divf %add3A_391, %div3A_392 : vector<320x128xf32>
    %dot_general3A_394 = arith.constant dense<0.000000e+00> : vector<320x128xf32>
    %dot_general3A_395 = tpu.matmul %get3A_1, %get3A_23, %dot_general3A_394 {dimension_numbers = #tpu.dot_dimension_numbers<[1], [0], [0], [1], [0, 0, 1, 1], [], []>, transpose_lhs_hint = false} : vector<320x128xf32>, vector<128x128xf32>, vector<320x128xf32> -> vector<320x128xf32>
    %dot_general3A_396 = arith.constant dense<0.000000e+00> : vector<320x128xf32>
    %dot_general3A_397 = tpu.matmul %div3A_393, %get3A_26, %dot_general3A_396 {dimension_numbers = #tpu.dot_dimension_numbers<[1], [0], [0], [1], [0, 0, 1, 1], [], []>, transpose_lhs_hint = false} : vector<320x128xf32>, vector<128x128xf32>, vector<320x128xf32> -> vector<320x128xf32>
    %add3A_398 = arith.addf %dot_general3A_395, %dot_general3A_397 : vector<320x128xf32>
    %add3A_399 = vector.broadcast %get3A_29 : vector<1x128xf32> to vector<320x128xf32>
    %add3A_400 = arith.addf %add3A_398, %add3A_399 : vector<320x128xf32>
    %max3A = arith.constant 0.000000e+00 : f32
    %max3A_401 = vector.broadcast %max3A : f32 to vector<320x128xf32>
    %max3A_402 = arith.maximumf %add3A_400, %max3A_401 : vector<320x128xf32>
    %swap3A_403 = arith.constant 0 : index
    %swap3A_404 = arith.constant 0 : index
    %swap3A_405 = vector.load %arg18[%swap3A_403, %swap3A_404] : memref<320x128xf32, #tpu.memory_space<vmem>>, vector<320x128xf32>
    tpu.vector_store %arg18[%swap3A_403, %swap3A_404], %max3A_402 {strides = array<i32>} : memref<320x128xf32, #tpu.memory_space<vmem>>, vector<320x128xf32>,
    return
  }
  func.func @transform_0(%arg0: i32) -> (i32, i32) {
    %c0_i32 = arith.constant 0 : i32
    %c0_i32_0 = arith.constant 0 : i32
    return %arg0, %c0_i32 : i32, i32
  }
  func.func @transform_1(%arg0: i32) -> (i32, i32) {
    %c0_i32 = arith.constant 0 : i32
    %c0_i32_0 = arith.constant 0 : i32
    return %arg0, %c0_i32 : i32, i32
  }
  func.func @transform_2(%arg0: i32) -> (i32, i32, i32) {
    %c0_i32 = arith.constant 0 : i32
    %c0_i32_0 = arith.constant 0 : i32
    %c0_i32_1 = arith.constant 0 : i32
    return %c0_i32, %arg0, %c0_i32_0 : i32, i32, i32
  }
  func.func @transform_3(%arg0: i32) -> (i32, i32, i32) {
    %c0_i32 = arith.constant 0 : i32
    %c0_i32_0 = arith.constant 0 : i32
    %c0_i32_1 = arith.constant 0 : i32
    return %c0_i32, %arg0, %c0_i32_0 : i32, i32, i32
  }
  func.func @transform_4(%arg0: i32) -> (i32, i32, i32) {
    %c0_i32 = arith.constant 0 : i32
    %c0_i32_0 = arith.constant 0 : i32
    %c0_i32_1 = arith.constant 0 : i32
    return %arg0, %c0_i32, %c0_i32_0 : i32, i32, i32
  }
  func.func @transform_5(%arg0: i32) -> (i32, i32, i32) {
    %c0_i32 = arith.constant 0 : i32
    %c0_i32_0 = arith.constant 0 : i32
    %c0_i32_1 = arith.constant 0 : i32
    return %arg0, %c0_i32, %c0_i32_0 : i32, i32, i32
  }
  func.func @transform_6(%arg0: i32) -> (i32, i32, i32) {
    %c0_i32 = arith.constant 0 : i32
    %c0_i32_0 = arith.constant 0 : i32
    %c0_i32_1 = arith.constant 0 : i32
    return %arg0, %c0_i32, %c0_i32_0 : i32, i32, i32
  }
  func.func @transform_7(%arg0: i32) -> (i32, i32) {
    %c0_i32 = arith.constant 0 : i32
    %c0_i32_0 = arith.constant 0 : i32
    return %arg0, %c0_i32 : i32, i32
  }
  func.func @transform_8(%arg0: i32) -> (i32, i32) {
    %c0_i32 = arith.constant 0 : i32
    %c0_i32_0 = arith.constant 0 : i32
    %c0_i32_1 = arith.constant 0 : i32
    return %c0_i32, %c0_i32_0 : i32, i32
  }
  func.func @transform_9(%arg0: i32) -> (i32, i32) {
    %c0_i32 = arith.constant 0 : i32
    %c0_i32_0 = arith.constant 0 : i32
    %c0_i32_1 = arith.constant 0 : i32
    return %c0_i32, %c0_i32_0 : i32, i32
  }
  func.func @transform_10(%arg0: i32) -> (i32, i32) {
    %c0_i32 = arith.constant 0 : i32
    %c0_i32_0 = arith.constant 0 : i32
    %c0_i32_1 = arith.constant 0 : i32
    return %c0_i32, %c0_i32_0 : i32, i32
  }
  func.func @transform_11(%arg0: i32) -> (i32, i32) {
    %c0_i32 = arith.constant 0 : i32
    %c0_i32_0 = arith.constant 0 : i32
    %c0_i32_1 = arith.constant 0 : i32
    return %c0_i32, %c0_i32_0 : i32, i32
  }
  func.func @transform_12(%arg0: i32) -> (i32, i32) {
    %c0_i32 = arith.constant 0 : i32
    %c0_i32_0 = arith.constant 0 : i32
    %c0_i32_1 = arith.constant 0 : i32
    return %c0_i32, %c0_i32_0 : i32, i32
  }
  func.func @transform_13(%arg0: i32) -> (i32, i32) {
    %c0_i32 = arith.constant 0 : i32
    %c0_i32_0 = arith.constant 0 : i32
    %c0_i32_1 = arith.constant 0 : i32
    return %c0_i32, %c0_i32_0 : i32, i32
  }
  func.func @transform_14(%arg0: i32) -> (i32, i32) {
    %c0_i32 = arith.constant 0 : i32
    %c0_i32_0 = arith.constant 0 : i32
    %c0_i32_1 = arith.constant 0 : i32
    return %c0_i32, %c0_i32_0 : i32, i32
  }
  func.func @transform_15(%arg0: i32) -> (i32, i32) {
    %c0_i32 = arith.constant 0 : i32
    %c0_i32_0 = arith.constant 0 : i32
    %c0_i32_1 = arith.constant 0 : i32
    return %c0_i32, %c0_i32_0 : i32, i32
  }
  func.func @transform_16(%arg0: i32) -> (i32, i32, i32) {
    %c0_i32 = arith.constant 0 : i32
    %c0_i32_0 = arith.constant 0 : i32
    %c0_i32_1 = arith.constant 0 : i32
    return %arg0, %c0_i32, %c0_i32_0 : i32, i32, i32
  }
  func.func @transform_17(%arg0: i32) -> (i32, i32) {
    %c0_i32 = arith.constant 0 : i32
    %c0_i32_0 = arith.constant 0 : i32
    return %arg0, %c0_i32 : i32, i32
  }
}

</mosaic_0001>

<sc_bundles>
// kernel: gather_offload_async_start.1
scs
__scs_entry_jumppad:
0x0: {  	(pc) =	sbr.rel $0x88, $3  }
0x1: {  	(tag) =	ssettag $0x0;
	lr =	simm.s32 $0x1  }
0x2: {  	[smem:$0x3F90] =	sst lr;
	_ =	strace $0xD0000000  }
0x3: {  	_ = 	snop  }
0x4: {  	_ = 	snop  }
0x5: {  	_ = 	snop  }
0x6: {  	_ = 	snop  }
0x7: {  	_ = 	snop  }
__scs_overlays_trampoline_lowered:
0x8: {  	[smem:$0x3F9F] =	sst s0  }
0x9: {  	[smem:$0x3FA0] =	sst s1  }
0xa: {  	[smem:$0x3FA1] =	sst s2  }
0xb: {  	[smem:$0x3FA2] =	sst s3  }
0xc: {  	[smem:$0x3FA3] =	sst s4  }
0xd: {  	[smem:$0x3FA4] =	sst s5  }
0xe: {  	[smem:$0x3FA5] =	sst s6  }
0xf: {  	[smem:$0x3FA6] =	sst s7  }
0x10: {  	[smem:$0x3FA7] =	sst s8  }
0x11: {  	[smem:$0x3FA8] =	sst s9;
	s0 =	simm.s32 @!p0 $0x0  }
0x12: {  	s1 =	sld [smem:$0x3F8E];
	s0 =	simm.s32 @p0 $0x1  }
0x13: {  	[smem:$0x3FA9] =	sst s0;
	s0 =	simm.s32 @!p1 $0x0  }
0x14: {  	s2 =	sld [smem:$0x3F8D];
	s0 =	simm.s32 @p1 $0x1  }
0x15: {  	[smem:$0x3FAA] =	sst s0;
	s0 =	simm.s32 @!p2 $0x0  }
0x16: {  	s3 =	sld [smem:$0x3FDB];
	s0 =	simm.s32 @p2 $0x1  }
0x17: {  	s4 =	simm.s32 $0x1BF5;
	[smem:$0x3FAC] =	sst s0  }
0x18: {  	s0 =	sld [smem:$0x3F8F];
	_ =	swait.ge [sflag:s4], $0x0  }
0x19: {  	s7 =	sld [smem:$0x3F90]  }
0x1a: {  	s8 =	sadd.s32 $0xFFFFE003, lr  }
0x1b: {  	s9 =	sadd.s32 $0xFFFFFEF7, lr;
	s5 =	simm.s32 $0xFFFFFFFF;
	p2 =	slt.u32 s8, $0xFFFFF086  }
0x1c: {  	p1 =	slt.u32 s9, $0xF7A;
	s5 =	simm.s32 @!p2 $0x0  }
0x1d: {  	s5 =	simm.s32 @p1 $0x1;
	p0 =	seq.s32 s7, s2  }
0x1e: {  	s7 =	smul.u32 @!p0 $0xF7A, s2;
	p2 =	seq.s32 @!p0 s5, $0x0  }
0x1f: {  	s9 =	smul.u32 $0xF7A, s1;
	s8 =	simm.s32 @!p0 $0x1BF5;
	p2 =	por !p2, p0  }
0x20: {  	[sflag:s8] =	ssyncset.s32 @!p0 $0xFFFFF086;
	s6 =	sadd.s32 @!p0 s3, s7;
	s7 =	simm.s32 @!p0 $0x108  }
0x21: {  	s3 =	sadd.s32 s3, s9;
	s6 =	sadd.s32 @!p0 $0x88, s6;
	s7 =	simm.s32 @p2 $0x1082  }
0x22: {  	[simem:s7], [sflag:s8] =	dma.local @!p0 [hbm:s6], $0xF7A  }
0x23: {  	s9 =	sor.u32 $0xD0000000, s2;
	s6 =	simm.s32 $0x108;
	_ =	swait.ge @!p0 [sflag:s8], $0x0  }
0x24: {  	s3 =	sadd.s32 $0x88, s3;
	s6 =	simm.s32 @!p1 $0x1082;
	[sflag:s4] =	ssyncset.s32 $0xFFFFF086  }
0x25: {  	[simem:s6], [sflag:s4] =	dma.local [hbm:s3], $0xF7A  }
0x26: {  	[smem:$0x3F90] =	sst s1;
	(tag) =	ssettag s2;
	_ =	strace s9  }
0x27: {  	s1 =	sld [smem:$0x3FA0]  }
0x28: {  	s2 =	sld [smem:$0x3FA1]  }
0x29: {  	s4 =	sld [smem:$0x3FA3]  }
0x2a: {  	p0 =	seq.s32 s5, $0x0;
	s5 =	sld [smem:$0x3FA4]  }
0x2b: {  	s6 =	sld [smem:$0x3FA5]  }
0x2c: {  	s7 =	sld [smem:$0x3FA6]  }
0x2d: {  	s3 =	simm.s32 $0x108;
	s8 =	sld [smem:$0x3FA7]  }
0x2e: {  	s3 =	simm.s32 @!p0 $0x1082;
	s9 =	sld [smem:$0x3FA8]  }
0x2f: {  	lr =	sadd.s32 s0, s3;
	s0 =	sld [smem:$0x3F9F]  }
0x30: {  	s3 =	sld [smem:$0x3FA2]  }
0x31: {  	[smem:$0x3FAB] =	sst s10  }
0x32: {  	s10 =	sld [smem:$0x3FA9];
	_ =	sdelay $0x3  }
0x33: {  	p0 =	seq.s32 s10, $0x1;
	s10 =	sld [smem:$0x3FAB];
	_ =	sdelay $0x3  }
0x34: {  	[smem:$0x3FAB] =	sst s10  }
0x35: {  	s10 =	sld [smem:$0x3FAA];
	_ =	sdelay $0x3  }
0x36: {  	p1 =	seq.s32 s10, $0x1;
	s10 =	sld [smem:$0x3FAB];
	_ =	sdelay $0x3  }
0x37: {  	[smem:$0x3FAB] =	sst s10  }
0x38: {  	s10 =	sld [smem:$0x3FAC]  }
0x39: {  	_ = 	snop;
	(pc) =	sbr.ind lr, $3  }
0x3a: {  	_ = 	snop  }
0x3b: {  	_ = 	snop  }
0x3c: {  	p2 =	seq.s32 s10, $0x1;
	s10 =	sld [smem:$0x3FAB]  }
0x3d: {  	_ =	shalt  }
0x3e: {  	_ =	shalt  }
0x3f: {  	_ =	shalt  }
0x40: {  	_ =	shalt  }
0x41: {  	_ =	shalt  }
0x42: {  	_ =	shalt  }
0x43: {  	_ =	shalt  }
0x44: {  	_ =	shalt  }
0x45: {  	_ =	shalt  }
0x46: {  	_ =	shalt  }
0x47: {  	_ =	shalt  }
0x48: {  	_ =	shalt  }
0x49: {  	_ =	shalt  }
0x4a: {  	_ =	shalt  }
0x4b: {  	_ =	shalt  }
0x4c: {  	_ =	shalt  }
0x4d: {  	_ =	shalt  }
0x4e: {  	_ =	shalt  }
0x4f: {  	_ =	shalt  }
0x50: {  	_ =	shalt  }
0x51: {  	_ =	shalt  }
0x52: {  	_ =	shalt  }
0x53: {  	_ =	shalt  }
0x54: {  	_ =	shalt  }
0x55: {  	_ =	shalt  }
0x56: {  	_ =	shalt  }
0x57: {  	_ =	shalt  }
0x58: {  	_ =	shalt  }
0x59: {  	_ =	shalt  }
0x5a: {  	_ =	shalt  }
0x5b: {  	_ =	shalt  }
0x5c: {  	_ =	shalt  }
0x5d: {  	_ =	shalt  }
0x5e: {  	_ =	shalt  }
0x5f: {  	_ =	shalt  }
0x60: {  	_ =	shalt  }
0x61: {  	_ =	shalt  }
0x62: {  	_ =	shalt  }
0x63: {  	_ =	shalt  }
0x64: {  	_ =	shalt  }
0x65: {  	_ =	shalt  }
0x66: {  	_ =	shalt  }
0x67: {  	_ =	shalt  }
0x68: {  	_ =	shalt  }
0x69: {  	_ =	shalt  }
0x6a: {  	_ =	shalt  }
0x6b: {  	_ =	shalt  }
0x6c: {  	_ =	shalt  }
0x6d: {  	_ =	shalt  }
0x6e: {  	_ =	shalt  }
0x6f: {  	_ =	shalt  }
0x70: {  	_ =	shalt  }
0x71: {  	_ =	shalt  }
0x72: {  	_ =	shalt  }
0x73: {  	_ =	shalt  }
0x74: {  	_ =	shalt  }
0x75: {  	_ =	shalt  }
0x76: {  	_ =	shalt  }
0x77: {  	_ =	shalt  }
0x78: {  	_ =	shalt  }
0x79: {  	_ =	shalt  }
0x7a: {  	_ =	shalt  }
0x7b: {  	_ =	shalt  }
0x7c: {  	_ =	shalt  }
0x7d: {  	_ =	shalt  }
0x7e: {  	_ =	shalt  }
0x7f: {  	_ =	shalt  }
0x80: {  	_ =	shalt  }
0x81: {  	_ =	shalt  }
0x82: {  	_ =	shalt  }
0x83: {  	_ =	shalt  }
0x84: {  	_ =	shalt  }
0x85: {  	_ =	shalt  }
0x86: {  	_ =	shalt  }
0x87: {  	_ =	shalt  }
.Lfunc_end0:
.L_simem_size_0:
called_computation.1_lowered:
.L_overlay_start_0:
0x88: {  	s2 =	sld [smem:$0x3FD9]  }
0x89: {  	s3 =	sld [smem:$0x3FFE];
	_ =	sdelay $0x1  }
0x8a: {  	s1 =	srdreg.scid  }
0x8b: {  	s0 =	sand.u32 $0x1, s1  }
0x8c: {  	s17 =	sshll.u32 s0, $0xA;
	s2 =	sadd.s32 s3, s2  }
0x8d: {  	s2 =	sadd.s32 s2, s17  }
0x8e: {  	[smem:$0x3FB7] =	sst s2  }
0x8f: {  	_ = 	snop  }
0x90: {  	(tm) =	ssettm $0x1  }
0x91: {  	s18 =	sld [smem:$0x3FFB];
	_ =	sdelay $0x3  }
0x92: {  	_ =	strace s18  }
0x93: {  	s2 =	sld [smem:$0x3FFC];
	_ =	sdelay $0x3  }
0x94: {  	_ =	strace s2  }
0x95: {  	s2 =	sld [smem:$0x3FFD];
	_ =	sdelay $0x3  }
0x96: {  	_ =	strace s2  }
0x97: {  	_ =	strace $0x8FFFFFFF  }
0x98: {  	s19 =	sld [smem:$0x3FDB];
	_ =	sdelay $0x1  }
0x99: {  	s20 =	simm.s32 $_scs_section_size  }
0x9a: {  	s4 =	simm.s32 $_size__tile_overlayer_lowered;
	s5 =	simm.s32 $_tile_overlayer_lowered  }
0x9b: {  	s6 =	simm.s32 $0x1BFF;
	s21 =	sshll.u32 s5, $0x1;
	s3 =	sadd.s32 s20, s19  }
0x9c: {  	s22 =	simm.s32 $0x0;
	s4 =	sshll.u32 s4, $0x1;
	s5 =	sadd.s32 s21, s3  }
0x9d: {  	[timem:s22], [sflag:s6] =	dma.local [hbm:s5], s4  }
0x9e: {  	_ =	swait.ge [sflag:s6], s4  }
0x9f: {  	s4 =	ssub.s32 $0x0, s4;
	[sflag:s6] =	ssyncset.done $0x0  }
0xa0: {  	[sflag:s6] =	ssyncadd.s32 s4;
	_ =	sdelay $0x1  }
0xa1: {  	s23 =	simm.s32 $0x1B8B  }
0xa2: {  	_ =	swait.ge [sflag:s23], $0x1  }
0xa3: {  	[sflag:s23] =	ssyncset.done $0x0  }
0xa4: {  	[sflag:s23] =	ssyncadd.s32 $0xFFFFFFFF  }
0xa5: {  	s4 =	sld [smem:$0x0]  }
0xa6: {  	s5 =	sand.u32 $0xFFFFFFFE, s1  }
0xa7: {  	p0 =	sne.s32 s1, s5  }
0xa8: {  	s5 =	sshll.u32 @p0 s5, $0xE  }
0xa9: {  	s5 =	sadd.s32 @p0 $0x11B8D, s5;
	s6 =	sshll.u32 @p0 s4, $0x11  }
0xaa: {  	s5 =	sor.u32 @p0 s6, s5  }
0xab: {  	[sflag:s5] =	ssyncadd.remote.s32 @p0 $0x1;
	_ =	sdelay $0x1  }
0xac: {  	s5 =	simm.s32 @p0 $0x1B8D  }
0xad: {  	_ =	swait.eq @p0 [sflag:s5], $0x1  }
0xae: {  	[sflag:s5] =	ssyncadd.s32 @p0 $0xFFFFFFFF  }
0xaf: {  	s6 =	sshll.u32 @!p0 s1, $0xE  }
0xb0: {  	s6 =	sor.u32 @!p0 $0x4000, s6;
	s5 =	simm.s32 @!p0 $0x1B8D  }
0xb1: {  	s4 =	sshll.u32 @!p0 s4, $0x11;
	s6 =	sadd.s32 @!p0 $0x11B8D, s6;
	_ =	swait.eq @!p0 [sflag:s5], $0x1  }
0xb2: {  	s4 =	sor.u32 @!p0 s4, s6;
	[sflag:s5] =	ssyncadd.s32 @!p0 $0xFFFFFFFF  }
0xb3: {  	s25 =	simm.s32 $0x1B8E;
	s24 =	sld [smem:$0x3FFE];
	[sflag:s4] =	ssyncadd.remote.s32 @!p0 $0x1  }
0xb4: {  	s26 =	simm.s32 $execute0_lowered;
	[smem:$0x3FD2] =	sst s25  }
0xb5: {  	s5 =	sshll.u32 s26, $0x1;
	_ =	strace $0x80000049;
	[dreg:$0x1] =	wrdreg $0xFFFFFFFF  }
0xb6: {  	s28 =	simm.s32 $_size_execute0_lowered;
	s3 =	sadd.s32 s3, s5;
	[dreg:$0x0] =	wrdreg $0x0  }
0xb7: {  	s5 =	sshll.u32 s28, $0x1;
	[dreg:$0x2] =	wrdreg s3  }
0xb8: {  	[dreg:$0x3] =	wrdreg s5  }
0xb9: {  	[dreg:$0x4] =	wrdreg $0xC0  }
0xba: {  	_ =	task [dreg:s22], $0x5FFFF  }
0xbb: {  	[dreg:$0x1] =	wrdreg $0xFFFFFFFF  }
0xbc: {  	[dreg:$0x0] =	wrdreg $0x60  }
0xbd: {  	[dreg:$0x2] =	wrdreg s24  }
0xbe: {  	[dreg:$0x3] =	wrdreg $0x9  }
0xbf: {  	_ =	task.clear_ibuf [dreg:s22], $0x4FFFF;
	_ =	strace $0x90000049  }
0xc0: {  	s29 =	simm.s32 $0x9;
	_ =	strace $0x8000004B  }
0xc1: {  	_ =	swait.ge [sflag:s29], $0x1  }
0xc2: {  	[sflag:s29] =	ssyncadd.s32 $0xFFFFFFFF  }
0xc3: {  	_ =	strace $0x9000004B  }
0xc4: {  	_ =	sfence  }
0xc5: {  	s30 =	sld [smem:$0x0];
	_ =	sdelay $0x2  }
0xc6: {  	s31 =	sshll.u32 s1, $0xD;
	s1 =	sshrl.u32 s1, $0x2  }
0xc7: {  	s4 =	sand.u32 $0x4000, s31;
	s1 =	sadd.s32 s1, s30  }
0xc8: {  	s0 =	sor.u32 s4, s0;
	s1 =	sshll.u32 s1, $0x11  }
0xc9: {  	s0 =	sor.u32 s1, s0  }
0xca: {  	s0 =	sadd.s32 $0x8F2B, s0  }
0xcb: {  	[sflag:s0] =	ssyncadd.remote.s32 $0x1  }
0xcc: {  	_ =	sfence.sel $0xFFFF  }
0xcd: {  	[dreg:$0x0] =	wrdreg $0xFFFFFFFF;
	(pc) =	sbr.abs _section_cstart, $3  }
0xce: {  	[dreg:$0x1] =	wrdreg $0xFFFFFFFF  }
0xcf: {  	_ =	task.clear_ibuf [dreg:s22], $0x2FFFF;
	_ =	strace $0x9FFFFFFF  }
0xd0: {  	(tm) =	ssettm $0x7FFFFFFF  }
0xd1: {  	_ =	shalt  }
tec
execute0_lowered:
.L_overlay_start_1:
0x0: {  	(tag) =	ssettag $0x1  }
0x1: {  	s0 =	srdreg.scid  }
0x2: {  	s1 =	sshll.u32 s0, $0x4  }
0x3: {  	s0 =	stileid.u32;
	s1 =	sand.u32 $0x10, s1  }
0x4: {  	s2 =	sor.u32 s0, s1  }
0x5: {  	s3 =	smin.u32 s2, $0x10  }
0x6: {  	s1 =	sshll.u32 s1, $0x4;
	s2 =	sshll.u32 s2, $0x9;
	s3 =	sshll.u32 s3, $0x8  }
0x7: {  	s9 =	rddreg [dreg:$0x0];
	s1 =	sxor.u32 $0x300, s1;
	s2 =	sadd.s32 s2, s3  }
0x8: {  	s6 =	simm.s32 $0x1;
	s7 =	simm.s32 $0x2;
	s1 =	sadd.s32 s1, s2  }
0x9: {  	s10 =	simm.s32 $0x3;
	s13 =	simm.s32 $0x0;
	s3 =	smin.u32 s1, $0x5000  }
0xa: {  	s12 =	simm.s32 $0x0;
	s4 =	sadd.s32 $0x18B600, s9;
	s8 =	ssub.s32 s3, s2  }
.Ltmp0:
0xb: {  	s5 =	sadd.s32 $0x4200, s9;
	p0 =	sgt.s32 s8, $0x0;
	(pc) =	sbr.rel .LBB2_1-.Ltmp0, $4  }
0xc: {  	s1 =	rddreg [dreg:$0x1];
	_ =	strace $0x8000004A;
	s8 =	simm.s32 @!p0 $0x0  }
0xd: {  	s9 =	sadd.s32 $0x312000, s9;
	[sflag:s6] =	ssyncpa.u1 $0x0;
	s8 =	sadd.s32 $0xFF, s8  }
0xe: {  	s11 =	smov.u32 s2;
	[sflag:s7] =	ssyncpa.u1 $0x0;
	s8 =	sshrl.u32 s8, $0x8  }
0xf: {  	vm0 =	vmmov $0xff;
	vm1 =	vcmask $0x3F20;
	[sflag:s10] =	ssyncpa.u1 $0x0;
	p0 =	por $0x0, $0x0;
	s10 =	sadd.s32 $0x1, s8  }
.LBB2_6:
0x10: {  	[hbm:s17] =	stream.linear.scatter [tilespmem:s14], [sflag:$0x3], $0x400, $0x38;
	[tilespmem:$0x10200] =	vst v63  }
.LBB2_7:
0x11: {  	s13 =	sadd.s32 $0x100, s11  }
0x12: {  	s15 =	smov.u32 s2;
	p2 =	slt.s32 s13, s3  }
0x13: {  	s15 =	smov.u32 @p2 s13;
	p2 =	sne.s32 s12, s10  }
.Ltmp1:
0x14: {  	p1 =	slt.u32 s12, $0x2;
	(pc) =	sbr.rel @!p2 .LBB2_8-.Ltmp1, $4  }
0x15: {  	s14 =	simm.s32 @!p1 $0x3  }
0x16: {  	s16 =	sadd.s32 $0x1, s12;
	_ =	swait.ge @!p1 [sflag:s14], $0x8000  }
0x17: {  	p0 =	por !p0, !p0;
	s13 =	smov.u32 s11;
	[sflag:s14] =	ssyncset.done @!p1 $0x0  }
0x18: {  	s12 =	smov.u32 s16;
	s11 =	smov.u32 s15;
	[sflag:s14] =	ssyncadd.s32 @!p1 $0xFFFF8000  }
.LBB2_1:
0x19: {  	p1 =	sge.u32 s12, s8  }
0x1a: {  	s14 =	sxor.u32 @!p1 $0xFFFFFFFF, s12  }
0x1b: {  	s31 =	sadd.s32 $0xFFFFFFFF, s12;
	s15 =	sshrl.u32 @!p1 s11, $0x3;
	s14 =	sshll.u32 @!p1 s14, $0x8  }
0x1c: {  	s16 =	sand.u32 @!p1 $0x7, s11;
	s15 =	sadd.s32 @!p1 s5, s15;
	s14 =	sand.u32 @!p1 $0x100, s14  }
0x1d: {  	[tilespmem:s14], [sflag:$0x2] =	stream.linear.gather @!p1 [hbm4b:s15+s16], $0x100, $0x38;
	[tilespmem:$0x10200] =	vst v63  }
0x1e: {  	p1 =	sge.u32 s31, s8  }
.Ltmp2:
0x1f: {  	_ = 	snop;
	(pc) =	sbr.rel @p1 .LBB2_7-.Ltmp2, $1  }
0x20: {  	_ =	sdelay $0x3  }
0x21: {  	s14 =	simm.s32 $0x1  }
0x22: {  	_ =	swait.ge [sflag:s7], $0x100;
	s14 =	simm.s32 @!p0 $0x0  }
0x23: {  	[sflag:s7] =	ssyncset.done $0x0;
	s16 =	sshll.u32 s14, $0x8  }
0x24: {  	[sflag:s7] =	ssyncadd.s32 $0xFFFFFF00;
	s15 =	sadd.s32 $0x0, s16  }
0x25: {  	v0 =	vld.msk [tilespmem:s15+$0x0 ss:$0x1], $0xffff;
	_ =	sdelay $0x4  }
0x26: {  	vm2 =	vgt.s32 v0, $0x0  }
0x27: {  	v0 =	vnsel vm2, $0x0, v0  }
0x28: {  	v0 =	vmin.u32 v0, $0x1869F  }
0x29: {  	v0 =	vshll.u32 v0, $0x4;
	_ =	sdelay $0x2  }
0x2a: {  	s14 =	sshll.u32 s14, $0xF  }
0x2b: {  	s14 =	sor.u32 $0x200, s14  }
0x2c: {  	[tilespmem:s14], [sflag:$0x1] =	stream.indirect_vreg.gather [hbm:s4], $0x80, v0, vm0, $0x38;
	[tilespmem:$0x10200] =	vst v63  }
0x2d: {  	s17 =	sadd.s32 $0x10, s16;
	s15 =	sadd.s32 $0x400, s14  }
0x2e: {  	[tilespmem:s15], [sflag:$0x1] =	stream.indirect_vreg.gather [hbm:s4], $0x80, v0, vm1, $0x38;
	[tilespmem:$0x10200] =	vst v63  }
0x2f: {  	s18 =	simm.s32 $0x80;
	v0 =	vld.msk [tilespmem:s17+$0x0 ss:$0x1], $0xffff;
	s17 =	smov.u32 s14  }
.LBB2_3:
0x30: {  	p1 =	sne.s32 s18, $0x3C0;
	_ =	sdelay $0x4  }
0x31: {  	vm2 =	vgt.s32 v0, $0x0  }
0x32: {  	v0 =	vnsel vm2, $0x0, v0  }
0x33: {  	v0 =	vmin.u32 v0, $0x1869F  }
0x34: {  	v0 =	vshll.u32 v0, $0x4;
	_ =	sdelay $0x3  }
.Ltmp3:
0x35: {  	s19 =	sshra.s32 s18, $0x2;
	s17 =	sadd.s32 $0x800, s17;
	(pc) =	sbr.rel @p1 .LBB2_3-.Ltmp3, $4  }
0x36: {  	[tilespmem:s17], [sflag:$0x1] =	stream.indirect_vreg.gather [hbm:s4], $0x80, v0, vm0, $0x38;
	[tilespmem:$0x10200] =	vst v63  }
0x37: {  	s19 =	sadd.s32 s19, s16;
	s20 =	sadd.s32 $0x400, s17  }
0x38: {  	[tilespmem:s20], [sflag:$0x1] =	stream.indirect_vreg.gather [hbm:s4], $0x80, v0, vm1, $0x38;
	[tilespmem:$0x10200] =	vst v63  }
0x39: {  	s18 =	sadd.s32 $0x40, s18;
	v0 =	vld.msk [tilespmem:s19+$0x0 ss:$0x1], $0xffff  }
0x3a: {  	_ =	sdelay $0x3  }
0x3b: {  	vm2 =	vgt.s32 v0, $0x0  }
0x3c: {  	v0 =	vnsel vm2, $0x0, v0  }
0x3d: {  	v0 =	vmin.u32 v0, $0x1869F  }
0x3e: {  	v0 =	vshll.u32 v0, $0x4;
	_ =	sdelay $0x3  }
0x3f: {  	s16 =	sadd.s32 $0x800, s17  }
0x40: {  	[tilespmem:s16], [sflag:$0x1] =	stream.indirect_vreg.gather [hbm:s4], $0x80, v0, vm0, $0x38;
	[tilespmem:$0x10200] =	vst v63  }
0x41: {  	s16 =	sadd.s32 $0x400, s16  }
0x42: {  	[tilespmem:s16], [sflag:$0x1] =	stream.indirect_vreg.gather [hbm:s4], $0x80, v0, vm1, $0x38;
	[tilespmem:$0x10200] =	vst v63  }
0x43: {  	s13 =	sshll.u32 s13, $0x4;
	_ =	swait.ge [sflag:s6], $0x8000  }
0x44: {  	s13 =	sadd.s32 s13, s9;
	[sflag:s6] =	ssyncset.done $0x0  }
0x45: {  	s17 =	sadd.s32 $0x0, s13;
	s16 =	simm.s32 $0x80;
	[sflag:s6] =	ssyncadd.s32 $0xFFFF8000  }
.LBB2_5:
0x46: {  	[hbm:s17] =	stream.linear.scatter [tilespmem:s14], [sflag:$0x3], $0x400, $0x38;
	[tilespmem:$0x10200] =	vst v63  }
0x47: {  	s17 =	smov.u32 s16;
	s14 =	smov.u32 s15;
	p1 =	sne.s32 s16, $0xF80  }
.Ltmp4:
0x48: {  	s16 =	sadd.s32 $0x80, s16;
	(pc) =	sbr.rel @p1 .LBB2_5-.Ltmp4, $2  }
0x49: {  	_ =	sdelay $0x2  }
0x4a: {  	s15 =	sadd.s32 $0x400, s15;
	s17 =	sadd.s32 s17, s13  }
.Ltmp5:
0x4b: {  	_ = 	snop;
	(pc) =	sbr.rel .LBB2_6-.Ltmp5, $1  }
0x4c: {  	_ =	sdelay $0x3  }
.LBB2_8:
0x4d: {  	_ =	sfence.sel $0x180000  }
0x4e: {  	s2 =	simm.s32 $0x2;
	[bflag:$0x0] =	sbarrier.arrive $0xFFFF  }
0x4f: {  	s30 =	simm.s32 $0x3;
	[sflag:s2] =	ssyncpa.u1 $0x1  }
0x50: {  	s31 =	simm.s32 $0x1;
	[sflag:s30] =	ssyncpa.u1 $0x1  }
0x51: {  	[sflag:s31] =	ssyncpa.u1 $0x1  }
0x52: {  	p0 =	sne.s32 s0, $0x0;
	_ =	strace $0x9000004A  }
0x53: {  	s0 =	sadd.s32 @!p0 $0x100000, s1;
	[bflag:$0x2] =	sbarrier.arrive $0xFFFF  }
0x54: {  	[sflag:s0] =	ssyncadd.tile.s32 @!p0 $0x1;
	_ =	shalt  }
.Lfunc_end2:
_tile_overlayer_lowered:
.L_overlay_start_2:
0x55: {  	(tag) =	ssettag $0x2  }
0x56: {  	s0 =	rddreg [dreg:$0x0];
	s2 =	stileid.u32  }
0x57: {  	s1 =	rddreg [dreg:$0x1];
	p0 =	sne.s32 s2, $0x0  }
0x58: {  	s3 =	rddreg [dreg:$0x2];
	[bflag:$0x3] =	sbarrier.arrive $0xFFFF;
	s2 =	simm.s32 @!p0 $0x1C01  }
0x59: {  	[timem:s3], [sflag:s2] =	dma.local @!p0 [hbm:s0], s1  }
0x5a: {  	s0 =	simm.s32 @!p0 $0x1  }
0x5b: {  	_ =	swait.ge @!p0 [sflag:s0], s1  }
0x5c: {  	s1 =	ssub.s32 @!p0 $0x0, s1;
	[sflag:s0] =	ssyncset.done @!p0 $0x0  }
0x5d: {  	[sflag:s0] =	ssyncadd.s32 @!p0 s1  }
0x5e: {  	[bflag:$0x3] =	sbarrier.arrive $0xFFFF  }
0x5f: {  	_ =	shalt  }

// kernel: gather_offload_async_start
scs
__scs_entry_jumppad:
0x0: {  	(pc) =	sbr.rel $0x88, $3  }
0x1: {  	(tag) =	ssettag $0x0;
	lr =	simm.s32 $0x1  }
0x2: {  	[smem:$0x3F90] =	sst lr;
	_ =	strace $0xD0000000  }
0x3: {  	_ = 	snop  }
0x4: {  	_ = 	snop  }
0x5: {  	_ = 	snop  }
0x6: {  	_ = 	snop  }
0x7: {  	_ = 	snop  }
__scs_overlays_trampoline_lowered:
0x8: {  	[smem:$0x3F9F] =	sst s0  }
0x9: {  	[smem:$0x3FA0] =	sst s1  }
0xa: {  	[smem:$0x3FA1] =	sst s2  }
0xb: {  	[smem:$0x3FA2] =	sst s3  }
0xc: {  	[smem:$0x3FA3] =	sst s4  }
0xd: {  	[smem:$0x3FA4] =	sst s5  }
0xe: {  	[smem:$0x3FA5] =	sst s6  }
0xf: {  	[smem:$0x3FA6] =	sst s7  }
0x10: {  	[smem:$0x3FA7] =	sst s8  }
0x11: {  	[smem:$0x3FA8] =	sst s9;
	s0 =	simm.s32 @!p0 $0x0  }
0x12: {  	s1 =	sld [smem:$0x3F8E];
	s0 =	simm.s32 @p0 $0x1  }
0x13: {  	[smem:$0x3FA9] =	sst s0;
	s0 =	simm.s32 @!p1 $0x0  }
0x14: {  	s2 =	sld [smem:$0x3F8D];
	s0 =	simm.s32 @p1 $0x1  }
0x15: {  	[smem:$0x3FAA] =	sst s0;
	s0 =	simm.s32 @!p2 $0x0  }
0x16: {  	s3 =	sld [smem:$0x3FDB];
	s0 =	simm.s32 @p2 $0x1  }
0x17: {  	s4 =	simm.s32 $0x1BF5;
	[smem:$0x3FAC] =	sst s0  }
0x18: {  	s0 =	sld [smem:$0x3F8F];
	_ =	swait.ge [sflag:s4], $0x0  }
0x19: {  	s7 =	sld [smem:$0x3F90]  }
0x1a: {  	s8 =	sadd.s32 $0xFFFFE003, lr  }
0x1b: {  	s9 =	sadd.s32 $0xFFFFFEF7, lr;
	s5 =	simm.s32 $0xFFFFFFFF;
	p2 =	slt.u32 s8, $0xFFFFF086  }
0x1c: {  	p1 =	slt.u32 s9, $0xF7A;
	s5 =	simm.s32 @!p2 $0x0  }
0x1d: {  	s5 =	simm.s32 @p1 $0x1;
	p0 =	seq.s32 s7, s2  }
0x1e: {  	s7 =	smul.u32 @!p0 $0xF7A, s2;
	p2 =	seq.s32 @!p0 s5, $0x0  }
0x1f: {  	s9 =	smul.u32 $0xF7A, s1;
	s8 =	simm.s32 @!p0 $0x1BF5;
	p2 =	por !p2, p0  }
0x20: {  	[sflag:s8] =	ssyncset.s32 @!p0 $0xFFFFF086;
	s6 =	sadd.s32 @!p0 s3, s7;
	s7 =	simm.s32 @!p0 $0x108  }
0x21: {  	s3 =	sadd.s32 s3, s9;
	s6 =	sadd.s32 @!p0 $0x88, s6;
	s7 =	simm.s32 @p2 $0x1082  }
0x22: {  	[simem:s7], [sflag:s8] =	dma.local @!p0 [hbm:s6], $0xF7A  }
0x23: {  	s9 =	sor.u32 $0xD0000000, s2;
	s6 =	simm.s32 $0x108;
	_ =	swait.ge @!p0 [sflag:s8], $0x0  }
0x24: {  	s3 =	sadd.s32 $0x88, s3;
	s6 =	simm.s32 @!p1 $0x1082;
	[sflag:s4] =	ssyncset.s32 $0xFFFFF086  }
0x25: {  	[simem:s6], [sflag:s4] =	dma.local [hbm:s3], $0xF7A  }
0x26: {  	[smem:$0x3F90] =	sst s1;
	(tag) =	ssettag s2;
	_ =	strace s9  }
0x27: {  	s1 =	sld [smem:$0x3FA0]  }
0x28: {  	s2 =	sld [smem:$0x3FA1]  }
0x29: {  	s4 =	sld [smem:$0x3FA3]  }
0x2a: {  	p0 =	seq.s32 s5, $0x0;
	s5 =	sld [smem:$0x3FA4]  }
0x2b: {  	s6 =	sld [smem:$0x3FA5]  }
0x2c: {  	s7 =	sld [smem:$0x3FA6]  }
0x2d: {  	s3 =	simm.s32 $0x108;
	s8 =	sld [smem:$0x3FA7]  }
0x2e: {  	s3 =	simm.s32 @!p0 $0x1082;
	s9 =	sld [smem:$0x3FA8]  }
0x2f: {  	lr =	sadd.s32 s0, s3;
	s0 =	sld [smem:$0x3F9F]  }
0x30: {  	s3 =	sld [smem:$0x3FA2]  }
0x31: {  	[smem:$0x3FAB] =	sst s10  }
0x32: {  	s10 =	sld [smem:$0x3FA9];
	_ =	sdelay $0x3  }
0x33: {  	p0 =	seq.s32 s10, $0x1;
	s10 =	sld [smem:$0x3FAB];
	_ =	sdelay $0x3  }
0x34: {  	[smem:$0x3FAB] =	sst s10  }
0x35: {  	s10 =	sld [smem:$0x3FAA];
	_ =	sdelay $0x3  }
0x36: {  	p1 =	seq.s32 s10, $0x1;
	s10 =	sld [smem:$0x3FAB];
	_ =	sdelay $0x3  }
0x37: {  	[smem:$0x3FAB] =	sst s10  }
0x38: {  	s10 =	sld [smem:$0x3FAC]  }
0x39: {  	_ = 	snop;
	(pc) =	sbr.ind lr, $3  }
0x3a: {  	_ = 	snop  }
0x3b: {  	_ = 	snop  }
0x3c: {  	p2 =	seq.s32 s10, $0x1;
	s10 =	sld [smem:$0x3FAB]  }
0x3d: {  	_ =	shalt  }
0x3e: {  	_ =	shalt  }
0x3f: {  	_ =	shalt  }
0x40: {  	_ =	shalt  }
0x41: {  	_ =	shalt  }
0x42: {  	_ =	shalt  }
0x43: {  	_ =	shalt  }
0x44: {  	_ =	shalt  }
0x45: {  	_ =	shalt  }
0x46: {  	_ =	shalt  }
0x47: {  	_ =	shalt  }
0x48: {  	_ =	shalt  }
0x49: {  	_ =	shalt  }
0x4a: {  	_ =	shalt  }
0x4b: {  	_ =	shalt  }
0x4c: {  	_ =	shalt  }
0x4d: {  	_ =	shalt  }
0x4e: {  	_ =	shalt  }
0x4f: {  	_ =	shalt  }
0x50: {  	_ =	shalt  }
0x51: {  	_ =	shalt  }
0x52: {  	_ =	shalt  }
0x53: {  	_ =	shalt  }
0x54: {  	_ =	shalt  }
0x55: {  	_ =	shalt  }
0x56: {  	_ =	shalt  }
0x57: {  	_ =	shalt  }
0x58: {  	_ =	shalt  }
0x59: {  	_ =	shalt  }
0x5a: {  	_ =	shalt  }
0x5b: {  	_ =	shalt  }
0x5c: {  	_ =	shalt  }
0x5d: {  	_ =	shalt  }
0x5e: {  	_ =	shalt  }
0x5f: {  	_ =	shalt  }
0x60: {  	_ =	shalt  }
0x61: {  	_ =	shalt  }
0x62: {  	_ =	shalt  }
0x63: {  	_ =	shalt  }
0x64: {  	_ =	shalt  }
0x65: {  	_ =	shalt  }
0x66: {  	_ =	shalt  }
0x67: {  	_ =	shalt  }
0x68: {  	_ =	shalt  }
0x69: {  	_ =	shalt  }
0x6a: {  	_ =	shalt  }
0x6b: {  	_ =	shalt  }
0x6c: {  	_ =	shalt  }
0x6d: {  	_ =	shalt  }
0x6e: {  	_ =	shalt  }
0x6f: {  	_ =	shalt  }
0x70: {  	_ =	shalt  }
0x71: {  	_ =	shalt  }
0x72: {  	_ =	shalt  }
0x73: {  	_ =	shalt  }
0x74: {  	_ =	shalt  }
0x75: {  	_ =	shalt  }
0x76: {  	_ =	shalt  }
0x77: {  	_ =	shalt  }
0x78: {  	_ =	shalt  }
0x79: {  	_ =	shalt  }
0x7a: {  	_ =	shalt  }
0x7b: {  	_ =	shalt  }
0x7c: {  	_ =	shalt  }
0x7d: {  	_ =	shalt  }
0x7e: {  	_ =	shalt  }
0x7f: {  	_ =	shalt  }
0x80: {  	_ =	shalt  }
0x81: {  	_ =	shalt  }
0x82: {  	_ =	shalt  }
0x83: {  	_ =	shalt  }
0x84: {  	_ =	shalt  }
0x85: {  	_ =	shalt  }
0x86: {  	_ =	shalt  }
0x87: {  	_ =	shalt  }
.Lfunc_end0:
.L_simem_size_0:
called_computation_lowered:
.L_overlay_start_0:
0x88: {  	s2 =	sld [smem:$0x3FD9]  }
0x89: {  	s3 =	sld [smem:$0x3FFE];
	_ =	sdelay $0x1  }
0x8a: {  	s1 =	srdreg.scid  }
0x8b: {  	s0 =	sand.u32 $0x1, s1  }
0x8c: {  	s14 =	sshll.u32 s0, $0xA;
	s2 =	sadd.s32 s3, s2  }
0x8d: {  	s2 =	sadd.s32 s2, s14  }
0x8e: {  	[smem:$0x3FB7] =	sst s2  }
0x8f: {  	_ = 	snop  }
0x90: {  	s2 =	sld [smem:$0x3FD0];
	_ =	sdelay $0x2  }
0x91: {  	s15 =	simm.s32 $0xB;
	s4 =	simm.s32 $0x10  }
0x92: {  	[smem:s4], [sflag:s15] =	dma.local [hbm:s2], $0x1  }
0x93: {  	_ =	swait.eq [sflag:s15], $0x1  }
0x94: {  	[sflag:s15] =	ssyncset.done $0x0  }
0x95: {  	[sflag:s15] =	ssyncadd.s32 $0xFFFFFFFF  }
0x96: {  	s16 =	sld [smem:$0x11];
	(tm) =	ssettm $0x1  }
0x97: {  	s17 =	sld [smem:$0x3FFB];
	_ =	sdelay $0x3  }
0x98: {  	_ =	strace s17  }
0x99: {  	s3 =	sld [smem:$0x3FFC];
	_ =	sdelay $0x3  }
0x9a: {  	_ =	strace s3  }
0x9b: {  	s3 =	sld [smem:$0x3FFD];
	_ =	sdelay $0x3  }
0x9c: {  	_ =	strace s3  }
0x9d: {  	_ =	strace $0x8FFFFFFF  }
0x9e: {  	s18 =	sld [smem:$0x3FDB];
	_ =	sdelay $0x1  }
0x9f: {  	s19 =	simm.s32 $_scs_section_size  }
0xa0: {  	s5 =	simm.s32 $_size__tile_overlayer_lowered;
	s6 =	simm.s32 $_tile_overlayer_lowered  }
0xa1: {  	s22 =	simm.s32 $0x1BFF;
	s21 =	sshll.u32 s6, $0x1;
	s3 =	sadd.s32 s19, s18  }
0xa2: {  	s7 =	simm.s32 $0x0;
	s20 =	sshll.u32 s5, $0x1;
	s5 =	sadd.s32 s21, s3  }
0xa3: {  	[timem:s7], [sflag:s22] =	dma.local [hbm:s5], s20  }
0xa4: {  	_ =	swait.ge [sflag:s22], s20  }
0xa5: {  	s4 =	ssub.s32 $0x0, s20;
	[sflag:s22] =	ssyncset.done $0x0  }
0xa6: {  	[sflag:s22] =	ssyncadd.s32 s4;
	_ =	sdelay $0x1  }
0xa7: {  	s23 =	simm.s32 $0x1B8B  }
0xa8: {  	_ =	swait.ge [sflag:s23], $0x1  }
0xa9: {  	[sflag:s23] =	ssyncset.done $0x0  }
0xaa: {  	s25 =	simm.s32 $0x1B8E;
	s24 =	sld [smem:$0x3FFE];
	[sflag:s23] =	ssyncadd.s32 $0xFFFFFFFF  }
0xab: {  	s26 =	simm.s32 $execute0_lowered;
	[smem:$0x3FD2] =	sst s25  }
0xac: {  	s5 =	sshll.u32 s26, $0x1;
	_ =	strace $0x80000046;
	[dreg:$0x1] =	wrdreg $0xFFFFFFFF  }
0xad: {  	s28 =	simm.s32 $_size_execute0_lowered;
	s3 =	sadd.s32 s3, s5;
	[dreg:$0x0] =	wrdreg $0x0  }
0xae: {  	s5 =	sshll.u32 s28, $0x1;
	[dreg:$0x2] =	wrdreg s3  }
0xaf: {  	[dreg:$0x3] =	wrdreg s5  }
0xb0: {  	[dreg:$0x4] =	wrdreg $0xC0  }
0xb1: {  	_ =	task [dreg:s7], $0x5FFFF  }
0xb2: {  	[dreg:$0x1] =	wrdreg $0xFFFFFFFF  }
0xb3: {  	[dreg:$0x0] =	wrdreg $0x60  }
0xb4: {  	[dreg:$0x2] =	wrdreg s24  }
0xb5: {  	[dreg:$0x3] =	wrdreg s16  }
0xb6: {  	[dreg:$0x4] =	wrdreg $0xA  }
0xb7: {  	_ =	task.clear_ibuf [dreg:s7], $0x5FFFF;
	_ =	strace $0x90000046  }
0xb8: {  	s29 =	simm.s32 $0xA;
	_ =	strace $0x80000048  }
0xb9: {  	_ =	swait.ge [sflag:s29], $0x1  }
0xba: {  	[sflag:s29] =	ssyncadd.s32 $0xFFFFFFFF  }
0xbb: {  	_ =	strace $0x90000048  }
0xbc: {  	_ =	sfence  }
0xbd: {  	s30 =	sld [smem:$0x0];
	_ =	sdelay $0x2  }
0xbe: {  	s31 =	sshll.u32 s1, $0xD;
	s1 =	sshrl.u32 s1, $0x2  }
0xbf: {  	s3 =	sand.u32 $0x4000, s31;
	s1 =	sadd.s32 s1, s30  }
0xc0: {  	s0 =	sor.u32 s3, s0;
	s1 =	sshll.u32 s1, $0x11  }
0xc1: {  	s0 =	sor.u32 s1, s0  }
0xc2: {  	s0 =	sadd.s32 $0x8F2B, s0  }
0xc3: {  	[sflag:s0] =	ssyncadd.remote.s32 $0x1  }
0xc4: {  	_ =	sfence.sel $0xFFFF  }
0xc5: {  	[dreg:$0x0] =	wrdreg $0xFFFFFFFF;
	(pc) =	sbr.abs _section_cstart, $3  }
0xc6: {  	[dreg:$0x1] =	wrdreg $0xFFFFFFFF  }
0xc7: {  	_ =	task.clear_ibuf [dreg:s7], $0x2FFFF;
	_ =	strace $0x9FFFFFFF  }
0xc8: {  	(tm) =	ssettm $0x7FFFFFFF  }
0xc9: {  	_ =	shalt  }
tec
execute0_lowered:
.L_overlay_start_1:
0x0: {  	(tag) =	ssettag $0x1  }
0x1: {  	s0 =	srdreg.scid  }
0x2: {  	s1 =	sshll.u32 s0, $0x4  }
0x3: {  	s0 =	stileid.u32;
	s1 =	sand.u32 $0x10, s1  }
0x4: {  	s2 =	sor.u32 s0, s1  }
0x5: {  	s3 =	smin.u32 s2, $0x10  }
0x6: {  	s1 =	sshll.u32 s1, $0x4;
	s2 =	sshll.u32 s2, $0x9;
	s3 =	sshll.u32 s3, $0x8  }
0x7: {  	s9 =	rddreg [dreg:$0x0];
	s1 =	sxor.u32 $0x300, s1;
	s2 =	sadd.s32 s2, s3  }
0x8: {  	s6 =	simm.s32 $0x1;
	s7 =	simm.s32 $0x2;
	s1 =	sadd.s32 s1, s2  }
0x9: {  	s10 =	simm.s32 $0x3;
	s13 =	simm.s32 $0x0;
	s4 =	smin.u32 s1, $0x5000  }
0xa: {  	s12 =	simm.s32 $0x0;
	s5 =	sadd.s32 $0x4C00, s9;
	s8 =	ssub.s32 s4, s2  }
.Ltmp0:
0xb: {  	s3 =	rddreg [dreg:$0x1];
	p0 =	sgt.s32 s8, $0x0;
	(pc) =	sbr.rel .LBB2_1-.Ltmp0, $4  }
0xc: {  	s1 =	rddreg [dreg:$0x2];
	_ =	strace $0x80000047;
	s8 =	simm.s32 @!p0 $0x0  }
0xd: {  	s9 =	sadd.s32 $0x4200, s9;
	[sflag:s6] =	ssyncpa.u1 $0x0;
	s8 =	sadd.s32 $0xFF, s8  }
0xe: {  	s11 =	smov.u32 s2;
	[sflag:s7] =	ssyncpa.u1 $0x0;
	s8 =	sshrl.u32 s8, $0x8  }
0xf: {  	vm0 =	vmmov $0xff;
	vm1 =	vcmask $0x3F20;
	[sflag:s10] =	ssyncpa.u1 $0x0;
	p0 =	por $0x0, $0x0;
	s10 =	sadd.s32 $0x1, s8  }
.LBB2_6:
0x10: {  	[hbm:s17] =	stream.linear.scatter [tilespmem:s14], [sflag:$0x3], $0x400, $0x38;
	[tilespmem:$0x10200] =	vst v63  }
.LBB2_7:
0x11: {  	s13 =	sadd.s32 $0x100, s11  }
0x12: {  	s15 =	smov.u32 s2;
	p2 =	slt.s32 s13, s4  }
0x13: {  	s15 =	smov.u32 @p2 s13;
	p2 =	sne.s32 s12, s10  }
.Ltmp1:
0x14: {  	p1 =	slt.u32 s12, $0x2;
	(pc) =	sbr.rel @!p2 .LBB2_8-.Ltmp1, $4  }
0x15: {  	s14 =	simm.s32 @!p1 $0x3  }
0x16: {  	s16 =	sadd.s32 $0x1, s12;
	_ =	swait.ge @!p1 [sflag:s14], $0x8000  }
0x17: {  	p0 =	por !p0, !p0;
	s13 =	smov.u32 s11;
	[sflag:s14] =	ssyncset.done @!p1 $0x0  }
0x18: {  	s12 =	smov.u32 s16;
	s11 =	smov.u32 s15;
	[sflag:s14] =	ssyncadd.s32 @!p1 $0xFFFF8000  }
.LBB2_1:
0x19: {  	p1 =	sge.u32 s12, s8  }
0x1a: {  	s14 =	sxor.u32 @!p1 $0xFFFFFFFF, s12  }
0x1b: {  	s31 =	sadd.s32 $0xFFFFFFFF, s12;
	s15 =	sshrl.u32 @!p1 s11, $0x3;
	s14 =	sshll.u32 @!p1 s14, $0x8  }
0x1c: {  	s16 =	sand.u32 @!p1 $0x7, s11;
	s15 =	sadd.s32 @!p1 s9, s15;
	s14 =	sand.u32 @!p1 $0x100, s14  }
0x1d: {  	[tilespmem:s14], [sflag:$0x2] =	stream.linear.gather @!p1 [hbm4b:s15+s16], $0x100, $0x38;
	[tilespmem:$0x10200] =	vst v63  }
0x1e: {  	p1 =	sge.u32 s31, s8  }
.Ltmp2:
0x1f: {  	_ = 	snop;
	(pc) =	sbr.rel @p1 .LBB2_7-.Ltmp2, $1  }
0x20: {  	_ =	sdelay $0x3  }
0x21: {  	s14 =	simm.s32 $0x1  }
0x22: {  	_ =	swait.ge [sflag:s7], $0x100;
	s14 =	simm.s32 @!p0 $0x0  }
0x23: {  	[sflag:s7] =	ssyncset.done $0x0;
	s16 =	sshll.u32 s14, $0x8  }
0x24: {  	[sflag:s7] =	ssyncadd.s32 $0xFFFFFF00;
	s15 =	sadd.s32 $0x0, s16  }
0x25: {  	v0 =	vld.msk [tilespmem:s15+$0x0 ss:$0x1], $0xffff;
	_ =	sdelay $0x4  }
0x26: {  	vm2 =	vgt.s32 v0, $0x0  }
0x27: {  	v0 =	vnsel vm2, $0x0, v0  }
0x28: {  	v0 =	vmin.u32 v0, $0x1869F  }
0x29: {  	v0 =	vshll.u32 v0, $0x4;
	_ =	sdelay $0x2  }
0x2a: {  	s14 =	sshll.u32 s14, $0xF  }
0x2b: {  	s14 =	sor.u32 $0x200, s14  }
0x2c: {  	[tilespmem:s14], [sflag:$0x1] =	stream.indirect_vreg.gather [hbm:s5], $0x80, v0, vm0, $0x38;
	[tilespmem:$0x10200] =	vst v63  }
0x2d: {  	s17 =	sadd.s32 $0x10, s16;
	s15 =	sadd.s32 $0x400, s14  }
0x2e: {  	[tilespmem:s15], [sflag:$0x1] =	stream.indirect_vreg.gather [hbm:s5], $0x80, v0, vm1, $0x38;
	[tilespmem:$0x10200] =	vst v63  }
0x2f: {  	s18 =	simm.s32 $0x80;
	v0 =	vld.msk [tilespmem:s17+$0x0 ss:$0x1], $0xffff;
	s17 =	smov.u32 s14  }
.LBB2_3:
0x30: {  	p1 =	sne.s32 s18, $0x3C0;
	_ =	sdelay $0x4  }
0x31: {  	vm2 =	vgt.s32 v0, $0x0  }
0x32: {  	v0 =	vnsel vm2, $0x0, v0  }
0x33: {  	v0 =	vmin.u32 v0, $0x1869F  }
0x34: {  	v0 =	vshll.u32 v0, $0x4;
	_ =	sdelay $0x3  }
.Ltmp3:
0x35: {  	s19 =	sshra.s32 s18, $0x2;
	s17 =	sadd.s32 $0x800, s17;
	(pc) =	sbr.rel @p1 .LBB2_3-.Ltmp3, $4  }
0x36: {  	[tilespmem:s17], [sflag:$0x1] =	stream.indirect_vreg.gather [hbm:s5], $0x80, v0, vm0, $0x38;
	[tilespmem:$0x10200] =	vst v63  }
0x37: {  	s19 =	sadd.s32 s19, s16;
	s20 =	sadd.s32 $0x400, s17  }
0x38: {  	[tilespmem:s20], [sflag:$0x1] =	stream.indirect_vreg.gather [hbm:s5], $0x80, v0, vm1, $0x38;
	[tilespmem:$0x10200] =	vst v63  }
0x39: {  	s18 =	sadd.s32 $0x40, s18;
	v0 =	vld.msk [tilespmem:s19+$0x0 ss:$0x1], $0xffff  }
0x3a: {  	_ =	sdelay $0x3  }
0x3b: {  	vm2 =	vgt.s32 v0, $0x0  }
0x3c: {  	v0 =	vnsel vm2, $0x0, v0  }
0x3d: {  	v0 =	vmin.u32 v0, $0x1869F  }
0x3e: {  	v0 =	vshll.u32 v0, $0x4;
	_ =	sdelay $0x3  }
0x3f: {  	s16 =	sadd.s32 $0x800, s17  }
0x40: {  	[tilespmem:s16], [sflag:$0x1] =	stream.indirect_vreg.gather [hbm:s5], $0x80, v0, vm0, $0x38;
	[tilespmem:$0x10200] =	vst v63  }
0x41: {  	s16 =	sadd.s32 $0x400, s16  }
0x42: {  	[tilespmem:s16], [sflag:$0x1] =	stream.indirect_vreg.gather [hbm:s5], $0x80, v0, vm1, $0x38;
	[tilespmem:$0x10200] =	vst v63  }
0x43: {  	s13 =	sshll.u32 s13, $0x4;
	_ =	swait.ge [sflag:s6], $0x8000  }
0x44: {  	s13 =	sadd.s32 s13, s3;
	[sflag:s6] =	ssyncset.done $0x0  }
0x45: {  	s17 =	sadd.s32 $0x0, s13;
	s16 =	simm.s32 $0x80;
	[sflag:s6] =	ssyncadd.s32 $0xFFFF8000  }
.LBB2_5:
0x46: {  	[hbm:s17] =	stream.linear.scatter [tilespmem:s14], [sflag:$0x3], $0x400, $0x38;
	[tilespmem:$0x10200] =	vst v63  }
0x47: {  	s17 =	smov.u32 s16;
	s14 =	smov.u32 s15;
	p1 =	sne.s32 s16, $0xF80  }
.Ltmp4:
0x48: {  	s16 =	sadd.s32 $0x80, s16;
	(pc) =	sbr.rel @p1 .LBB2_5-.Ltmp4, $2  }
0x49: {  	_ =	sdelay $0x2  }
0x4a: {  	s15 =	sadd.s32 $0x400, s15;
	s17 =	sadd.s32 s17, s13  }
.Ltmp5:
0x4b: {  	_ = 	snop;
	(pc) =	sbr.rel .LBB2_6-.Ltmp5, $1  }
0x4c: {  	_ =	sdelay $0x3  }
.LBB2_8:
0x4d: {  	_ =	sfence.sel $0x180000  }
0x4e: {  	s2 =	simm.s32 $0x2;
	[bflag:$0x0] =	sbarrier.arrive $0xFFFF  }
0x4f: {  	s30 =	simm.s32 $0x3;
	[sflag:s2] =	ssyncpa.u1 $0x1  }
0x50: {  	s31 =	simm.s32 $0x1;
	[sflag:s30] =	ssyncpa.u1 $0x1  }
0x51: {  	[sflag:s31] =	ssyncpa.u1 $0x1  }
0x52: {  	p0 =	sne.s32 s0, $0x0;
	_ =	strace $0x90000047  }
0x53: {  	s0 =	sadd.s32 @!p0 $0x100000, s1;
	[bflag:$0x2] =	sbarrier.arrive $0xFFFF  }
0x54: {  	[sflag:s0] =	ssyncadd.tile.s32 @!p0 $0x1;
	_ =	shalt  }
.Lfunc_end2:
_tile_overlayer_lowered:
.L_overlay_start_2:
0x55: {  	(tag) =	ssettag $0x2  }
0x56: {  	s0 =	rddreg [dreg:$0x0];
	s2 =	stileid.u32  }
0x57: {  	s1 =	rddreg [dreg:$0x1];
	p0 =	sne.s32 s2, $0x0  }
0x58: {  	s3 =	rddreg [dreg:$0x2];
	[bflag:$0x3] =	sbarrier.arrive $0xFFFF;
	s2 =	simm.s32 @!p0 $0x1C01  }
0x59: {  	[timem:s3], [sflag:s2] =	dma.local @!p0 [hbm:s0], s1  }
0x5a: {  	s0 =	simm.s32 @!p0 $0x1  }
0x5b: {  	_ =	swait.ge @!p0 [sflag:s0], s1  }
0x5c: {  	s1 =	ssub.s32 @!p0 $0x0, s1;
	[sflag:s0] =	ssyncset.done @!p0 $0x0  }
0x5d: {  	[sflag:s0] =	ssyncadd.s32 @!p0 s1  }
0x5e: {  	[bflag:$0x3] =	sbarrier.arrive $0xFFFF  }
0x5f: {  	_ =	shalt  }

// kernel: kernel.4.cloned.1.call-start
scs
__scs_entry_jumppad:
0x0: {  	(pc) =	sbr.rel $0x88, $3  }
0x1: {  	(tag) =	ssettag $0x0;
	lr =	simm.s32 $0x1  }
0x2: {  	[smem:$0x3F90] =	sst lr;
	_ =	strace $0xD0000000  }
0x3: {  	_ = 	snop  }
0x4: {  	_ = 	snop  }
0x5: {  	_ = 	snop  }
0x6: {  	_ = 	snop  }
0x7: {  	_ = 	snop  }
__scs_overlays_trampoline_lowered:
0x8: {  	[smem:$0x3F9F] =	sst s0  }
0x9: {  	[smem:$0x3FA0] =	sst s1  }
0xa: {  	[smem:$0x3FA1] =	sst s2  }
0xb: {  	[smem:$0x3FA2] =	sst s3  }
0xc: {  	[smem:$0x3FA3] =	sst s4  }
0xd: {  	[smem:$0x3FA4] =	sst s5  }
0xe: {  	[smem:$0x3FA5] =	sst s6  }
0xf: {  	[smem:$0x3FA6] =	sst s7  }
0x10: {  	[smem:$0x3FA7] =	sst s8  }
0x11: {  	[smem:$0x3FA8] =	sst s9;
	s0 =	simm.s32 @!p0 $0x0  }
0x12: {  	s1 =	sld [smem:$0x3F8E];
	s0 =	simm.s32 @p0 $0x1  }
0x13: {  	[smem:$0x3FA9] =	sst s0;
	s0 =	simm.s32 @!p1 $0x0  }
0x14: {  	s2 =	sld [smem:$0x3F8D];
	s0 =	simm.s32 @p1 $0x1  }
0x15: {  	[smem:$0x3FAA] =	sst s0;
	s0 =	simm.s32 @!p2 $0x0  }
0x16: {  	s3 =	sld [smem:$0x3FDB];
	s0 =	simm.s32 @p2 $0x1  }
0x17: {  	s4 =	simm.s32 $0x1BF5;
	[smem:$0x3FAC] =	sst s0  }
0x18: {  	s0 =	sld [smem:$0x3F8F];
	_ =	swait.ge [sflag:s4], $0x0  }
0x19: {  	s7 =	sld [smem:$0x3F90]  }
0x1a: {  	s8 =	sadd.s32 $0xFFFFE003, lr  }
0x1b: {  	s9 =	sadd.s32 $0xFFFFFEF7, lr;
	s5 =	simm.s32 $0xFFFFFFFF;
	p2 =	slt.u32 s8, $0xFFFFF086  }
0x1c: {  	p1 =	slt.u32 s9, $0xF7A;
	s5 =	simm.s32 @!p2 $0x0  }
0x1d: {  	s5 =	simm.s32 @p1 $0x1;
	p0 =	seq.s32 s7, s2  }
0x1e: {  	s7 =	smul.u32 @!p0 $0xF7A, s2;
	p2 =	seq.s32 @!p0 s5, $0x0  }
0x1f: {  	s9 =	smul.u32 $0xF7A, s1;
	s8 =	simm.s32 @!p0 $0x1BF5;
	p2 =	por !p2, p0  }
0x20: {  	[sflag:s8] =	ssyncset.s32 @!p0 $0xFFFFF086;
	s6 =	sadd.s32 @!p0 s3, s7;
	s7 =	simm.s32 @!p0 $0x108  }
0x21: {  	s3 =	sadd.s32 s3, s9;
	s6 =	sadd.s32 @!p0 $0x88, s6;
	s7 =	simm.s32 @p2 $0x1082  }
0x22: {  	[simem:s7], [sflag:s8] =	dma.local @!p0 [hbm:s6], $0xF7A  }
0x23: {  	s9 =	sor.u32 $0xD0000000, s2;
	s6 =	simm.s32 $0x108;
	_ =	swait.ge @!p0 [sflag:s8], $0x0  }
0x24: {  	s3 =	sadd.s32 $0x88, s3;
	s6 =	simm.s32 @!p1 $0x1082;
	[sflag:s4] =	ssyncset.s32 $0xFFFFF086  }
0x25: {  	[simem:s6], [sflag:s4] =	dma.local [hbm:s3], $0xF7A  }
0x26: {  	[smem:$0x3F90] =	sst s1;
	(tag) =	ssettag s2;
	_ =	strace s9  }
0x27: {  	s1 =	sld [smem:$0x3FA0]  }
0x28: {  	s2 =	sld [smem:$0x3FA1]  }
0x29: {  	s4 =	sld [smem:$0x3FA3]  }
0x2a: {  	p0 =	seq.s32 s5, $0x0;
	s5 =	sld [smem:$0x3FA4]  }
0x2b: {  	s6 =	sld [smem:$0x3FA5]  }
0x2c: {  	s7 =	sld [smem:$0x3FA6]  }
0x2d: {  	s3 =	simm.s32 $0x108;
	s8 =	sld [smem:$0x3FA7]  }
0x2e: {  	s3 =	simm.s32 @!p0 $0x1082;
	s9 =	sld [smem:$0x3FA8]  }
0x2f: {  	lr =	sadd.s32 s0, s3;
	s0 =	sld [smem:$0x3F9F]  }
0x30: {  	s3 =	sld [smem:$0x3FA2]  }
0x31: {  	[smem:$0x3FAB] =	sst s10  }
0x32: {  	s10 =	sld [smem:$0x3FA9];
	_ =	sdelay $0x3  }
0x33: {  	p0 =	seq.s32 s10, $0x1;
	s10 =	sld [smem:$0x3FAB];
	_ =	sdelay $0x3  }
0x34: {  	[smem:$0x3FAB] =	sst s10  }
0x35: {  	s10 =	sld [smem:$0x3FAA];
	_ =	sdelay $0x3  }
0x36: {  	p1 =	seq.s32 s10, $0x1;
	s10 =	sld [smem:$0x3FAB];
	_ =	sdelay $0x3  }
0x37: {  	[smem:$0x3FAB] =	sst s10  }
0x38: {  	s10 =	sld [smem:$0x3FAC]  }
0x39: {  	_ = 	snop;
	(pc) =	sbr.ind lr, $3  }
0x3a: {  	_ = 	snop  }
0x3b: {  	_ = 	snop  }
0x3c: {  	p2 =	seq.s32 s10, $0x1;
	s10 =	sld [smem:$0x3FAB]  }
0x3d: {  	_ =	shalt  }
0x3e: {  	_ =	shalt  }
0x3f: {  	_ =	shalt  }
0x40: {  	_ =	shalt  }
0x41: {  	_ =	shalt  }
0x42: {  	_ =	shalt  }
0x43: {  	_ =	shalt  }
0x44: {  	_ =	shalt  }
0x45: {  	_ =	shalt  }
0x46: {  	_ =	shalt  }
0x47: {  	_ =	shalt  }
0x48: {  	_ =	shalt  }
0x49: {  	_ =	shalt  }
0x4a: {  	_ =	shalt  }
0x4b: {  	_ =	shalt  }
0x4c: {  	_ =	shalt  }
0x4d: {  	_ =	shalt  }
0x4e: {  	_ =	shalt  }
0x4f: {  	_ =	shalt  }
0x50: {  	_ =	shalt  }
0x51: {  	_ =	shalt  }
0x52: {  	_ =	shalt  }
0x53: {  	_ =	shalt  }
0x54: {  	_ =	shalt  }
0x55: {  	_ =	shalt  }
0x56: {  	_ =	shalt  }
0x57: {  	_ =	shalt  }
0x58: {  	_ =	shalt  }
0x59: {  	_ =	shalt  }
0x5a: {  	_ =	shalt  }
0x5b: {  	_ =	shalt  }
0x5c: {  	_ =	shalt  }
0x5d: {  	_ =	shalt  }
0x5e: {  	_ =	shalt  }
0x5f: {  	_ =	shalt  }
0x60: {  	_ =	shalt  }
0x61: {  	_ =	shalt  }
0x62: {  	_ =	shalt  }
0x63: {  	_ =	shalt  }
0x64: {  	_ =	shalt  }
0x65: {  	_ =	shalt  }
0x66: {  	_ =	shalt  }
0x67: {  	_ =	shalt  }
0x68: {  	_ =	shalt  }
0x69: {  	_ =	shalt  }
0x6a: {  	_ =	shalt  }
0x6b: {  	_ =	shalt  }
0x6c: {  	_ =	shalt  }
0x6d: {  	_ =	shalt  }
0x6e: {  	_ =	shalt  }
0x6f: {  	_ =	shalt  }
0x70: {  	_ =	shalt  }
0x71: {  	_ =	shalt  }
0x72: {  	_ =	shalt  }
0x73: {  	_ =	shalt  }
0x74: {  	_ =	shalt  }
0x75: {  	_ =	shalt  }
0x76: {  	_ =	shalt  }
0x77: {  	_ =	shalt  }
0x78: {  	_ =	shalt  }
0x79: {  	_ =	shalt  }
0x7a: {  	_ =	shalt  }
0x7b: {  	_ =	shalt  }
0x7c: {  	_ =	shalt  }
0x7d: {  	_ =	shalt  }
0x7e: {  	_ =	shalt  }
0x7f: {  	_ =	shalt  }
0x80: {  	_ =	shalt  }
0x81: {  	_ =	shalt  }
0x82: {  	_ =	shalt  }
0x83: {  	_ =	shalt  }
0x84: {  	_ =	shalt  }
0x85: {  	_ =	shalt  }
0x86: {  	_ =	shalt  }
0x87: {  	_ =	shalt  }
.Lfunc_end0:
.L_simem_size_0:
called_computation.2_lowered:
.L_overlay_start_0:
0x88: {  	s2 =	sld [smem:$0x3FD9]  }
0x89: {  	s3 =	sld [smem:$0x3FFE];
	_ =	sdelay $0x1  }
0x8a: {  	s1 =	srdreg.scid  }
0x8b: {  	s0 =	sand.u32 $0x1, s1  }
0x8c: {  	s15 =	sshll.u32 s0, $0xA;
	s2 =	sadd.s32 s3, s2  }
0x8d: {  	s2 =	sadd.s32 s2, s15  }
0x8e: {  	[smem:$0x3FB7] =	sst s2  }
0x8f: {  	_ = 	snop  }
0x90: {  	s16 =	sld [smem:$0x3FD0];
	_ =	sdelay $0x2  }
0x91: {  	s4 =	simm.s32 $0xB;
	s5 =	simm.s32 $0x10;
	s2 =	sld [smem:$0x3FC2]  }
0x92: {  	[smem:s5], [sflag:s4] =	dma.local [hbm:s16], $0x1  }
0x93: {  	_ =	swait.eq [sflag:s4], $0x1  }
0x94: {  	[sflag:s4] =	ssyncset.done $0x0  }
0x95: {  	[sflag:s4] =	ssyncadd.s32 $0xFFFFFFFF  }
0x96: {  	s17 =	sld [smem:$0x10];
	(tm) =	ssettm $0x1  }
0x97: {  	s18 =	sld [smem:$0x3FFB];
	_ =	sdelay $0x3  }
0x98: {  	_ =	strace s18  }
0x99: {  	s3 =	sld [smem:$0x3FFC];
	_ =	sdelay $0x3  }
0x9a: {  	_ =	strace s3  }
0x9b: {  	s3 =	sld [smem:$0x3FFD];
	_ =	sdelay $0x3  }
0x9c: {  	_ =	strace s3  }
0x9d: {  	_ =	strace $0x8FFFFFFF  }
0x9e: {  	s19 =	sld [smem:$0x3FDB];
	_ =	sdelay $0x1  }
0x9f: {  	s20 =	simm.s32 $_scs_section_size  }
0xa0: {  	s6 =	simm.s32 $_size__tile_overlayer_lowered;
	s7 =	simm.s32 $_tile_overlayer_lowered  }
0xa1: {  	s8 =	simm.s32 $0x1BFF;
	s21 =	sshll.u32 s7, $0x1;
	s5 =	sadd.s32 s20, s19  }
0xa2: {  	s22 =	simm.s32 $0x0;
	s6 =	sshll.u32 s6, $0x1;
	s7 =	sadd.s32 s21, s5  }
0xa3: {  	[timem:s22], [sflag:s8] =	dma.local [hbm:s7], s6  }
0xa4: {  	_ =	swait.ge [sflag:s8], s6  }
0xa5: {  	s6 =	ssub.s32 $0x0, s6;
	[sflag:s8] =	ssyncset.done $0x0  }
0xa6: {  	[sflag:s8] =	ssyncadd.s32 s6;
	_ =	sdelay $0x1  }
0xa7: {  	s23 =	simm.s32 $0x1B8B  }
0xa8: {  	_ =	swait.ge [sflag:s23], $0x1  }
0xa9: {  	[sflag:s23] =	ssyncset.done $0x0  }
0xaa: {  	[sflag:s23] =	ssyncadd.s32 $0xFFFFFFFF  }
0xab: {  	s6 =	sld [smem:$0x0]  }
0xac: {  	s7 =	sand.u32 $0xFFFFFFFE, s1  }
0xad: {  	p0 =	sne.s32 s1, s7  }
0xae: {  	s7 =	sshll.u32 @p0 s7, $0xE  }
0xaf: {  	s7 =	sadd.s32 @p0 $0x11B8D, s7;
	s8 =	sshll.u32 @p0 s6, $0x11  }
0xb0: {  	s7 =	sor.u32 @p0 s8, s7  }
0xb1: {  	[sflag:s7] =	ssyncadd.remote.s32 @p0 $0x1;
	_ =	sdelay $0x1  }
0xb2: {  	s7 =	simm.s32 @p0 $0x1B8D  }
0xb3: {  	_ =	swait.eq @p0 [sflag:s7], $0x1  }
0xb4: {  	[sflag:s7] =	ssyncadd.s32 @p0 $0xFFFFFFFF  }
0xb5: {  	s8 =	sshll.u32 @!p0 s1, $0xE  }
0xb6: {  	s8 =	sor.u32 @!p0 $0x4000, s8;
	s7 =	simm.s32 @!p0 $0x1B8D  }
0xb7: {  	s6 =	sshll.u32 @!p0 s6, $0x11;
	s8 =	sadd.s32 @!p0 $0x11B8D, s8;
	_ =	swait.eq @!p0 [sflag:s7], $0x1  }
0xb8: {  	s6 =	sor.u32 @!p0 s6, s8;
	[sflag:s7] =	ssyncadd.s32 @!p0 $0xFFFFFFFF  }
0xb9: {  	s25 =	simm.s32 $0x1B8E;
	s24 =	sld [smem:$0x3FFE];
	[sflag:s6] =	ssyncadd.remote.s32 @!p0 $0x1  }
0xba: {  	s26 =	simm.s32 $execute0_lowered;
	[smem:$0x3FD2] =	sst s25  }
0xbb: {  	s7 =	sshll.u32 s26, $0x1;
	_ =	strace $0x8000004C;
	[dreg:$0x1] =	wrdreg $0xFFFFFFFF  }
0xbc: {  	s28 =	simm.s32 $_size_execute0_lowered;
	s5 =	sadd.s32 s5, s7;
	[dreg:$0x0] =	wrdreg $0x0  }
0xbd: {  	s7 =	sshll.u32 s28, $0x1;
	[dreg:$0x2] =	wrdreg s5  }
0xbe: {  	[dreg:$0x3] =	wrdreg s7  }
0xbf: {  	[dreg:$0x4] =	wrdreg $0xC0  }
0xc0: {  	_ =	task [dreg:s22], $0x5FFFF  }
0xc1: {  	[dreg:$0x1] =	wrdreg $0xFFFFFFFF  }
0xc2: {  	[dreg:$0x0] =	wrdreg $0x60  }
0xc3: {  	[dreg:$0x2] =	wrdreg s24  }
0xc4: {  	[dreg:$0x3] =	wrdreg s2  }
0xc5: {  	[dreg:$0x4] =	wrdreg s17  }
0xc6: {  	[dreg:$0x5] =	wrdreg $0xA  }
0xc7: {  	_ =	task.clear_ibuf [dreg:s22], $0x6FFFF;
	_ =	strace $0x9000004C  }
0xc8: {  	s29 =	simm.s32 $0xA;
	_ =	strace $0x8000004E  }
0xc9: {  	_ =	swait.ge [sflag:s29], $0x1  }
0xca: {  	[sflag:s29] =	ssyncadd.s32 $0xFFFFFFFF  }
0xcb: {  	_ =	strace $0x9000004E  }
0xcc: {  	_ =	sfence  }
0xcd: {  	s30 =	sld [smem:$0x0];
	_ =	sdelay $0x2  }
0xce: {  	s31 =	sshll.u32 s1, $0xD;
	s1 =	sshrl.u32 s1, $0x2  }
0xcf: {  	s4 =	sand.u32 $0x4000, s31;
	s1 =	sadd.s32 s1, s30  }
0xd0: {  	s0 =	sor.u32 s4, s0;
	s1 =	sshll.u32 s1, $0x11  }
0xd1: {  	s0 =	sor.u32 s1, s0  }
0xd2: {  	s0 =	sadd.s32 $0x8F2B, s0  }
0xd3: {  	[sflag:s0] =	ssyncadd.remote.s32 $0x1  }
0xd4: {  	_ =	sfence.sel $0xFFFF  }
0xd5: {  	[dreg:$0x0] =	wrdreg $0xFFFFFFFF;
	(pc) =	sbr.abs _section_cstart, $3  }
0xd6: {  	[dreg:$0x1] =	wrdreg $0xFFFFFFFF  }
0xd7: {  	_ =	task.clear_ibuf [dreg:s22], $0x2FFFF;
	_ =	strace $0x9FFFFFFF  }
0xd8: {  	(tm) =	ssettm $0x7FFFFFFF  }
0xd9: {  	_ =	shalt  }
tec
execute0_lowered:
.L_overlay_start_1:
0x0: {  	(tag) =	ssettag $0x1  }
0x1: {  	s0 =	rddreg [dreg:$0x0]  }
0x2: {  	s1 =	rddreg [dreg:$0x1]  }
0x3: {  	s2 =	rddreg [dreg:$0x2]  }
0x4: {  	s3 =	simm.s32 $0x0;
	s4 =	srdreg.scid;
	s19 =	stileid.u32  }
0x5: {  	s28 =	simm.s32 $0x1;
	s29 =	simm.s32 $0x2;
	s30 =	simm.s32 $0x0  }
0x6: {  	[smem:$0x7FF] =	sst s3;
	s14 =	sand.u32 $0x1, s4;
	s17 =	smul.u32 $0x500, s19  }
0x7: {  	s26 =	sshll.u32 s19, $0x1;
	s6 =	sadd.s32 $0x3800, s0;
	s19 =	smul.u32 $0x28000, s19  }
0x8: {  	s10 =	sadd.s32 $0x362000, s0;
	s4 =	sadd.s32 $0x4C00, s0;
	s24 =	smul.u32 $0x280, s14  }
0x9: {  	s12 =	sadd.s32 $0xC400, s0;
	s5 =	sor.u32 s14, s26;
	s20 =	smul.u32 $0x14000, s14  }
0xa: {  	s18 =	sadd.s32 $0x362A00, s0;
	s7 =	ssub.s32 $0x2, s14;
	s8 =	smul.u32 $0x280, s5  }
0xb: {  	_ =	strace $0x8000004D;
	s9 =	sshrl.u32 s7, $0x1;
	s5 =	smul.u32 $0x14000, s5  }
0xc: {  	s31 =	ssub.s32 s7, s9;
	s19 =	sadd.s32 s20, s19;
	s21 =	sadd.s32 $0x140, s8  }
0xd: {  	s13 =	sshrl.u32 s8, $0x3;
	s15 =	sshrl.u32 s5, $0x3;
	s11 =	sshrl.u32 s21, $0x3  }
0xe: {  	s22 =	sadd.s32 s6, s13;
	s7 =	sadd.s32 s2, s15;
	s8 =	sadd.s32 s10, s13  }
0xf: {  	s16 =	sshll.u32 s21, $0x4;
	s13 =	sadd.s32 s4, s13;
	s21 =	sadd.s32 $0xA000, s19  }
0x10: {  	s19 =	sshrl.u32 s19, $0x3;
	[dreg:$0x4] =	wrdreg s22;
	s23 =	sadd.s32 s6, s11  }
0x11: {  	s9 =	sadd.s32 s2, s16;
	s10 =	sadd.s32 s10, s11;
	s11 =	sadd.s32 s12, s15  }
0x12: {  	s12 =	sadd.s32 s12, s16;
	s15 =	sadd.s32 s18, s15;
	s14 =	sadd.s32 $0x6E28, s13  }
0x13: {  	s16 =	sadd.s32 s16, s18;
	s2 =	sadd.s32 s24, s17;
	s17 =	smax.u32 s31, $0x1  }
0x14: {  	s31 =	sshrl.u32 s21, $0x3;
	s21 =	sadd.s32 s19, s18;
	s22 =	simm.s32 $0x3  }
0x15: {  	s24 =	simm.s32 $0x300;
	[dreg:$0x5] =	wrdreg s23;
	s15 =	sadd.s32 $0x370000, s15  }
0x16: {  	s16 =	sadd.s32 $0x370000, s16;
	s25 =	sadd.s32 $0x140, s2;
	s0 =	sadd.s32 $0x5000, s2  }
0x17: {  	s20 =	sadd.s32 s31, s18;
	s23 =	simm.s32 $0x140;
	s26 =	sshrl.u32 s25, $0x3  }
0x18: {  	s25 =	simm.s32 $0x180;
	s2 =	sadd.s32 s26, s4;
	s26 =	simm.s32 $0xA300  }
.LBB2_1:
0x19: {  	s5 =	rddreg [dreg:$0x4]  }
0x1a: {  	[tilespmem:s3], [sflag:$0x3] =	stream.linear.gather [hbm4b:s5+s3], $0x140, $0x38;
	[tilespmem:$0x14300] =	vst v63  }
0x1b: {  	_ =	swait.ge [sflag:s22], $0x140  }
0x1c: {  	[sflag:s22] =	ssyncset.done $0x0  }
0x1d: {  	[sflag:s22] =	ssyncadd.s32 $0xFFFFFEC0  }
0x1e: {  	[tilespmem:s24], [sflag:$0x1] =	stream.indirect.gather [hbm4b:s1+s23], $0x80, s3, s23, $0xb8;
	[tilespmem:$0x14300] =	vst v63  }
0x1f: {  	s19 =	rddreg [dreg:$0x5]  }
0x20: {  	[tilespmem:s25], [sflag:$0x3] =	stream.linear.gather [hbm4b:s19+s3], $0x140, $0x38;
	[tilespmem:$0x14300] =	vst v63  }
0x21: {  	_ =	swait.ge [sflag:s22], $0x140  }
0x22: {  	[sflag:s22] =	ssyncset.done $0x0  }
0x23: {  	[sflag:s22] =	ssyncadd.s32 $0xFFFFFEC0  }
0x24: {  	[tilespmem:s26], [sflag:$0x2] =	stream.indirect.gather [hbm4b:s1+s23], $0x80, s25, s23, $0xb8;
	[tilespmem:$0x14300] =	vst v63  }
0x25: {  	_ =	swait.ge [sflag:s28], $0xA000  }
0x26: {  	[sflag:s28] =	ssyncset.done $0x0  }
0x27: {  	[sflag:s28] =	ssyncadd.s32 $0xFFFF6000  }
0x28: {  	[hbm4b:s7+s3] =	stream.linear.scatter [tilespmem:s24], [sflag:$0x3], $0xA000, $0x38;
	[tilespmem:$0x14300] =	vst v63  }
0x29: {  	_ =	swait.ge [sflag:s22], $0xA000  }
0x2a: {  	[sflag:s22] =	ssyncset.done $0x0  }
0x2b: {  	[sflag:s22] =	ssyncadd.s32 $0xFFFF6000  }
0x2c: {  	[tilespmem:s3], [sflag:$0x3] =	stream.linear.gather [hbm4b:s8+s3], $0x140, $0x38;
	[tilespmem:$0x14300] =	vst v63  }
0x2d: {  	_ =	swait.ge [sflag:s22], $0x140  }
0x2e: {  	[sflag:s22] =	ssyncset.done $0x0  }
0x2f: {  	[sflag:s22] =	ssyncadd.s32 $0xFFFFFEC0  }
0x30: {  	[tilespmem:s24], [sflag:$0x1] =	stream.indirect.gather [hbm4b:s1+s23], $0x80, s3, s23, $0xb8;
	[tilespmem:$0x14300] =	vst v63  }
0x31: {  	_ =	swait.ge [sflag:s29], $0xA000  }
0x32: {  	[sflag:s29] =	ssyncset.done $0x0  }
0x33: {  	[sflag:s29] =	ssyncadd.s32 $0xFFFF6000  }
0x34: {  	[hbm4b:s9+s3] =	stream.linear.scatter [tilespmem:s26], [sflag:$0x3], $0xA000, $0x38;
	[tilespmem:$0x14300] =	vst v63  }
0x35: {  	_ =	swait.ge [sflag:s22], $0xA000  }
0x36: {  	[sflag:s22] =	ssyncset.done $0x0  }
0x37: {  	[sflag:s22] =	ssyncadd.s32 $0xFFFF6000  }
0x38: {  	[tilespmem:s25], [sflag:$0x3] =	stream.linear.gather [hbm4b:s10+s3], $0x140, $0x38;
	[tilespmem:$0x14300] =	vst v63  }
0x39: {  	_ =	swait.ge [sflag:s22], $0x140  }
0x3a: {  	[sflag:s22] =	ssyncset.done $0x0  }
0x3b: {  	[sflag:s22] =	ssyncadd.s32 $0xFFFFFEC0  }
0x3c: {  	[tilespmem:s26], [sflag:$0x2] =	stream.indirect.gather [hbm4b:s1+s23], $0x80, s25, s23, $0xb8;
	[tilespmem:$0x14300] =	vst v63  }
0x3d: {  	_ =	swait.ge [sflag:s28], $0xA000  }
0x3e: {  	[sflag:s28] =	ssyncset.done $0x0  }
0x3f: {  	[sflag:s28] =	ssyncadd.s32 $0xFFFF6000  }
0x40: {  	[hbm4b:s11+s3] =	stream.linear.scatter [tilespmem:s24], [sflag:$0x3], $0xA000, $0x38;
	[tilespmem:$0x14300] =	vst v63  }
0x41: {  	_ =	swait.ge [sflag:s22], $0xA000  }
0x42: {  	[sflag:s22] =	ssyncset.done $0x0  }
0x43: {  	[sflag:s22] =	ssyncadd.s32 $0xFFFF6000  }
0x44: {  	_ =	swait.ge [sflag:s29], $0xA000  }
0x45: {  	[sflag:s29] =	ssyncset.done $0x0  }
0x46: {  	[sflag:s29] =	ssyncadd.s32 $0xFFFF6000  }
0x47: {  	[hbm4b:s12+s3] =	stream.linear.scatter [tilespmem:s26], [sflag:$0x3], $0xA000, $0x38;
	[tilespmem:$0x14300] =	vst v63  }
0x48: {  	_ =	swait.ge [sflag:s22], $0xA000  }
0x49: {  	[sflag:s22] =	ssyncset.done $0x0  }
0x4a: {  	[sflag:s22] =	ssyncadd.s32 $0xFFFF6000  }
0x4b: {  	[tilespmem:s3], [sflag:$0x3] =	stream.linear.gather [hbm4b:s13+s3], $0x140, $0x38;
	[tilespmem:$0x14300] =	vst v63  }
0x4c: {  	_ =	swait.ge [sflag:s22], $0x140  }
0x4d: {  	[sflag:s22] =	ssyncset.done $0x0  }
0x4e: {  	[sflag:s22] =	ssyncadd.s32 $0xFFFFFEC0  }
0x4f: {  	[tilespmem:s24], [sflag:$0x1] =	stream.indirect.gather [hbm4b:s1+s23], $0x80, s3, s23, $0xb8;
	[tilespmem:$0x14300] =	vst v63  }
0x50: {  	_ = 	snop  }
0x51: {  	[tilespmem:s25], [sflag:$0x3] =	stream.linear.gather [hbm4b:s2+s3], $0x140, $0x38;
	[tilespmem:$0x14300] =	vst v63  }
0x52: {  	_ =	swait.ge [sflag:s22], $0x140  }
0x53: {  	[sflag:s22] =	ssyncset.done $0x0  }
0x54: {  	[sflag:s22] =	ssyncadd.s32 $0xFFFFFEC0  }
0x55: {  	[tilespmem:s26], [sflag:$0x2] =	stream.indirect.gather [hbm4b:s1+s23], $0x80, s25, s23, $0xb8;
	[tilespmem:$0x14300] =	vst v63  }
0x56: {  	_ =	swait.ge [sflag:s28], $0xA000  }
0x57: {  	[sflag:s28] =	ssyncset.done $0x0  }
0x58: {  	s18 =	sadd.s32 $0x0, s21;
	[sflag:s28] =	ssyncadd.s32 $0xFFFF6000  }
0x59: {  	[hbm4b:s18+s3] =	stream.linear.scatter [tilespmem:s24], [sflag:$0x3], $0xA000, $0x38;
	[tilespmem:$0x14300] =	vst v63  }
0x5a: {  	_ =	swait.ge [sflag:s22], $0xA000  }
0x5b: {  	s6 =	sshrl.u32 s0, $0x3;
	[sflag:s22] =	ssyncset.done $0x0  }
0x5c: {  	s18 =	sadd.s32 s4, s6;
	[sflag:s22] =	ssyncadd.s32 $0xFFFF6000  }
0x5d: {  	[tilespmem:s3], [sflag:$0x3] =	stream.linear.gather [hbm4b:s18+s3], $0x140, $0x38;
	[tilespmem:$0x14300] =	vst v63  }
0x5e: {  	_ =	swait.ge [sflag:s22], $0x140  }
0x5f: {  	[sflag:s22] =	ssyncset.done $0x0  }
0x60: {  	[sflag:s22] =	ssyncadd.s32 $0xFFFFFEC0  }
0x61: {  	[tilespmem:s24], [sflag:$0x1] =	stream.indirect.gather [hbm4b:s1+s23], $0x80, s3, s23, $0xb8;
	[tilespmem:$0x14300] =	vst v63  }
0x62: {  	_ =	swait.ge [sflag:s29], $0xA000  }
0x63: {  	[sflag:s29] =	ssyncset.done $0x0  }
0x64: {  	s19 =	sadd.s32 $0x0, s20;
	[sflag:s29] =	ssyncadd.s32 $0xFFFF6000  }
0x65: {  	[hbm4b:s19+s3] =	stream.linear.scatter [tilespmem:s26], [sflag:$0x3], $0xA000, $0x38;
	[tilespmem:$0x14300] =	vst v63  }
0x66: {  	s31 =	simm.s32 $0x50000;
	_ =	swait.ge [sflag:s22], $0xA000  }
0x67: {  	s18 =	smov.u32 s0;
	s19 =	smov.u32 s2;
	[sflag:s22] =	ssyncset.done $0x0  }
.LBB2_2:
0x68: {  	[sflag:s22] =	ssyncadd.s32 $0xFFFF6000  }
0x69: {  	s18 =	sadd.s32 $0x5000, s18;
	s19 =	sadd.s32 $0xA00, s19;
	s5 =	smov.u32 s31  }
0x6a: {  	[tilespmem:s25], [sflag:$0x3] =	stream.linear.gather [hbm4b:s19+s3], $0x140, $0x38;
	[tilespmem:$0x14300] =	vst v63  }
0x6b: {  	p0 =	sne.s32 s31, $0x320000;
	s31 =	sadd.s32 $0x50000, s31;
	_ =	swait.ge [sflag:s22], $0x140  }
0x6c: {  	[sflag:s22] =	ssyncset.done $0x0  }
0x6d: {  	[sflag:s22] =	ssyncadd.s32 $0xFFFFFEC0  }
0x6e: {  	[tilespmem:s26], [sflag:$0x2] =	stream.indirect.gather [hbm4b:s1+s23], $0x80, s25, s23, $0xb8;
	[tilespmem:$0x14300] =	vst v63  }
0x6f: {  	_ =	swait.ge [sflag:s28], $0xA000  }
0x70: {  	[sflag:s28] =	ssyncset.done $0x0  }
0x71: {  	s6 =	sadd.s32 s5, s21;
	[sflag:s28] =	ssyncadd.s32 $0xFFFF6000  }
0x72: {  	[hbm4b:s6+s3] =	stream.linear.scatter [tilespmem:s24], [sflag:$0x3], $0xA000, $0x38;
	[tilespmem:$0x14300] =	vst v63  }
0x73: {  	_ =	swait.ge [sflag:s22], $0xA000  }
0x74: {  	s6 =	sshrl.u32 s18, $0x3;
	[sflag:s22] =	ssyncset.done $0x0  }
0x75: {  	s6 =	sadd.s32 s4, s6;
	[sflag:s22] =	ssyncadd.s32 $0xFFFF6000  }
0x76: {  	[tilespmem:s3], [sflag:$0x3] =	stream.linear.gather [hbm4b:s6+s3], $0x140, $0x38;
	[tilespmem:$0x14300] =	vst v63  }
0x77: {  	_ =	swait.ge [sflag:s22], $0x140  }
0x78: {  	[sflag:s22] =	ssyncset.done $0x0  }
0x79: {  	[sflag:s22] =	ssyncadd.s32 $0xFFFFFEC0  }
0x7a: {  	[tilespmem:s24], [sflag:$0x1] =	stream.indirect.gather [hbm4b:s1+s23], $0x80, s3, s23, $0xb8;
	[tilespmem:$0x14300] =	vst v63  }
0x7b: {  	_ =	swait.ge [sflag:s29], $0xA000  }
.Ltmp0:
0x7c: {  	[sflag:s29] =	ssyncset.done $0x0;
	(pc) =	sbr.rel @p0 .LBB2_2-.Ltmp0, $4  }
0x7d: {  	s5 =	sadd.s32 s5, s20;
	[sflag:s29] =	ssyncadd.s32 $0xFFFF6000  }
0x7e: {  	[hbm4b:s5+s3] =	stream.linear.scatter [tilespmem:s26], [sflag:$0x3], $0xA000, $0x38;
	[tilespmem:$0x14300] =	vst v63  }
0x7f: {  	_ =	swait.ge [sflag:s22], $0xA000  }
0x80: {  	[sflag:s22] =	ssyncset.done $0x0  }
0x81: {  	[sflag:s22] =	ssyncadd.s32 $0xFFFF6000  }
0x82: {  	[tilespmem:s25], [sflag:$0x3] =	stream.linear.gather [hbm4b:s14+s3], $0x140, $0x38;
	[tilespmem:$0x14300] =	vst v63  }
0x83: {  	_ =	swait.ge [sflag:s22], $0x140  }
0x84: {  	[sflag:s22] =	ssyncset.done $0x0  }
0x85: {  	[sflag:s22] =	ssyncadd.s32 $0xFFFFFEC0  }
0x86: {  	[tilespmem:s26], [sflag:$0x2] =	stream.indirect.gather [hbm4b:s1+s23], $0x80, s25, s23, $0xb8;
	[tilespmem:$0x14300] =	vst v63  }
0x87: {  	_ =	swait.ge [sflag:s28], $0xA000  }
0x88: {  	[sflag:s28] =	ssyncset.done $0x0  }
0x89: {  	[sflag:s28] =	ssyncadd.s32 $0xFFFF6000  }
0x8a: {  	[hbm4b:s15+s3] =	stream.linear.scatter [tilespmem:s24], [sflag:$0x3], $0xA000, $0x38;
	[tilespmem:$0x14300] =	vst v63  }
0x8b: {  	_ =	swait.ge [sflag:s22], $0xA000  }
0x8c: {  	[sflag:s22] =	ssyncset.done $0x0  }
0x8d: {  	[sflag:s22] =	ssyncadd.s32 $0xFFFF6000  }
0x8e: {  	s30 =	sadd.s32 $0x1, s30;
	_ =	swait.ge [sflag:s29], $0xA000  }
0x8f: {  	p0 =	sne.s32 s30, s17;
	[sflag:s29] =	ssyncset.done $0x0  }
.Ltmp1:
0x90: {  	[sflag:s29] =	ssyncadd.s32 $0xFFFF6000;
	(pc) =	sbr.rel @p0 .LBB2_1-.Ltmp1, $4  }
0x91: {  	[hbm4b:s16+s3] =	stream.linear.scatter [tilespmem:s26], [sflag:$0x3], $0xA000, $0x38;
	[tilespmem:$0x14300] =	vst v63  }
0x92: {  	_ =	swait.ge [sflag:s22], $0xA000  }
0x93: {  	[sflag:s22] =	ssyncset.done $0x0  }
0x94: {  	[sflag:s22] =	ssyncadd.s32 $0xFFFF6000  }
0x95: {  	_ =	sfence.sel $0x180000  }
0x96: {  	[bflag:$0x0] =	sbarrier.arrive $0xFFFF  }
0x97: {  	_ =	strace $0x9000004D  }
0x98: {  	s0 =	stileid.u32;
	[bflag:$0x2] =	sbarrier.arrive $0xFFFF  }
0x99: {  	p0 =	sne.s32 s0, $0x0;
	s0 =	rddreg [dreg:$0x3]  }
0x9a: {  	s0 =	sadd.s32 @!p0 $0x100000, s0  }
0x9b: {  	[sflag:s0] =	ssyncadd.tile.s32 @!p0 $0x1;
	_ =	shalt  }
.Lfunc_end2:
_tile_overlayer_lowered:
.L_overlay_start_2:
0x9c: {  	(tag) =	ssettag $0x2  }
0x9d: {  	s0 =	rddreg [dreg:$0x0];
	s2 =	stileid.u32  }
0x9e: {  	s1 =	rddreg [dreg:$0x1];
	p0 =	sne.s32 s2, $0x0  }
0x9f: {  	s3 =	rddreg [dreg:$0x2];
	[bflag:$0x3] =	sbarrier.arrive $0xFFFF;
	s2 =	simm.s32 @!p0 $0x1C03  }
0xa0: {  	[timem:s3], [sflag:s2] =	dma.local @!p0 [hbm:s0], s1  }
0xa1: {  	s0 =	simm.s32 @!p0 $0x3  }
0xa2: {  	_ =	swait.ge @!p0 [sflag:s0], s1  }
0xa3: {  	s1 =	ssub.s32 @!p0 $0x0, s1;
	[sflag:s0] =	ssyncset.done @!p0 $0x0  }
0xa4: {  	[sflag:s0] =	ssyncadd.s32 @!p0 s1  }
0xa5: {  	[bflag:$0x3] =	sbarrier.arrive $0xFFFF  }
0xa6: {  	_ =	shalt  }

</sc_bundles>
